<compile_context>
chip_gen: v7x
topology: tpu7x:2x2x1
jax: 0.10.2.dev20260603
libtpu: 0.0.44.dev20260713+nightly
codegen_flags: <defaults>
</compile_context>

<pallas_src>
import functools

import jax
import jax.numpy as jnp
import numpy as np
from jax import lax
from jax.experimental import pallas as pl
from jax.experimental.pallas import tpu as pltpu
from jax.experimental.pallas import tpu_sc as plsc

N = 10000
E = 320000
D = 128
H = 256
C = 10
G = 64
NC = 2
NS = 16
NP = 10240
HW = 128
CHUNK = 128
NCH = 157
EP = NS * NCH * CHUNK
NCH0 = 79
EP0 = NS * NCH0 * CHUNK
RPT = NP // NS
RB = 512
NB = NP // RB


def _make_agg(nch):
    mesh = plsc.VectorSubcoreMesh(core_axis_name="c", subcore_axis_name="s")

    @functools.partial(
        pl.kernel,
        out_type=jax.ShapeDtypeStruct((NC, NP, HW), jnp.float32),
        mesh=mesh,
        scratch_types=[
            pltpu.VMEM((2, CHUNK), jnp.int32),
            pltpu.VMEM((CHUNK, HW), jnp.float32),
            pltpu.VMEM_SHARED((NP, HW), jnp.float32),
            pltpu.SemaphoreType.DMA,
        ],
    )
    def agg_kernel(table, idx_st, zeros_hbm, out, idx2, rows, acc, sem):
        cid = lax.axis_index("c")
        tid = lax.axis_index("s")
        pltpu.sync_copy(zeros_hbm, acc.at[pl.ds(tid * RPT, RPT)])
        plsc.subcore_barrier()

        def body(j, carry):
            pltpu.sync_copy(idx_st.at[cid, tid, j], idx2)
            pltpu.async_copy(table.at[idx2.at[0]], rows, sem).wait()
            pltpu.sync_copy(rows, acc.at[idx2.at[1]], add=True)
            return carry

        lax.fori_loop(0, nch, body, 0)
        plsc.subcore_barrier()
        pltpu.sync_copy(acc.at[pl.ds(tid * RPT, RPT)],
                        out.at[cid, pl.ds(tid * RPT, RPT)])

    return agg_kernel


def _mlp_body(agg_ref, x_ref, w1_ref, b1_ref, w2_ref, b2_ref, gs_ref, bt_ref,
              c_ref, o_ref):
    b = pl.program_id(0)
    cm = c_ref[0, 0]
    a0 = agg_ref[0] + cm * x_ref[0]
    a1 = agg_ref[1] + cm * x_ref[1]
    h = jnp.dot(a0, w1_ref[0], preferred_element_type=jnp.float32)
    h = h + jnp.dot(a1, w1_ref[1], preferred_element_type=jnp.float32)
    h = jnp.maximum(h + b1_ref[...], 0.0)
    y = jnp.dot(h, w2_ref[...], preferred_element_type=jnp.float32)
    y = jnp.maximum(y + b2_ref[...], 0.0)
    y = y * gs_ref[...] + bt_ref[...]
    rows = b * RB + lax.broadcasted_iota(jnp.int32, (RB, 1), 0)
    y = jnp.where(rows < N, y, 0.0)
    o_ref[0] = y[:, : H // 2]
    o_ref[1] = y[:, H // 2:]


def _mlp_call(agg, xs, w1s, b1, w2, b2, gs, bt, cm):
    return pl.pallas_call(
        _mlp_body,
        grid=(NB,),
        in_specs=[
            pl.BlockSpec((2, RB, HW), lambda b: (0, b, 0)),
            pl.BlockSpec((2, RB, HW), lambda b: (0, b, 0)),
            pl.BlockSpec((2, HW, H), lambda b: (0, 0, 0)),
            pl.BlockSpec((1, H), lambda b: (0, 0)),
            pl.BlockSpec((H, H), lambda b: (0, 0)),
            pl.BlockSpec((1, H), lambda b: (0, 0)),
            pl.BlockSpec((1, H), lambda b: (0, 0)),
            pl.BlockSpec((1, H), lambda b: (0, 0)),
            pl.BlockSpec((1, 1), lambda b: (0, 0)),
        ],
        out_specs=pl.BlockSpec((2, RB, H // 2), lambda b: (0, b, 0)),
        out_shape=jax.ShapeDtypeStruct((2, NP, H // 2), jnp.float32),
    )(agg, xs, w1s, b1, w2, b2, gs, bt, cm)


def _head_body(x_ref, b_ref, w1_ref, b1_ref, w2_ref, b2_ref, o_ref,
               s0, s1, cnt):
    b = pl.program_id(0)

    @pl.when(b == 0)
    def _init():
        s0[...] = jnp.zeros((G, H // 2), jnp.float32)
        s1[...] = jnp.zeros((G, H // 2), jnp.float32)
        cnt[...] = jnp.zeros((G, 1), jnp.float32)

    bid = b_ref[0]
    iog = lax.broadcasted_iota(jnp.int32, (G, RB), 0)
    oh = (iog == jnp.broadcast_to(bid, (G, RB))).astype(jnp.float32)
    s0[...] += jnp.dot(oh, x_ref[0], preferred_element_type=jnp.float32)
    s1[...] += jnp.dot(oh, x_ref[1], preferred_element_type=jnp.float32)
    cnt[...] += jnp.sum(oh, axis=1, keepdims=True)

    @pl.when(b == NB - 1)
    def _final():
        cc = jnp.maximum(cnt[...], 1.0)
        p = jnp.concatenate([s0[...] / cc, s1[...] / cc], axis=1)
        h = jnp.dot(p, w1_ref[...], preferred_element_type=jnp.float32)
        h = jnp.maximum(h + b1_ref[...], 0.0)
        lg = jnp.dot(h, w2_ref[...], preferred_element_type=jnp.float32)
        lg = lg + b2_ref[...]
        m = jnp.max(lg, axis=1, keepdims=True)
        lse = jnp.log(jnp.sum(jnp.exp(lg - m), axis=1, keepdims=True)) + m
        o_ref[...] = lg - lse


def _head_call(xs, batch3, l1w, l1b, l2w, l2b):
    return pl.pallas_call(
        _head_body,
        grid=(NB,),
        in_specs=[
            pl.BlockSpec((2, RB, H // 2), lambda b: (0, b, 0)),
            pl.BlockSpec((1, 1, RB), lambda b: (b, 0, 0)),
            pl.BlockSpec((H, H), lambda b: (0, 0)),
            pl.BlockSpec((1, H), lambda b: (0, 0)),
            pl.BlockSpec((H, 128), lambda b: (0, 0)),
            pl.BlockSpec((1, 128), lambda b: (0, 0)),
        ],
        out_specs=pl.BlockSpec((G, 128), lambda b: (0, 0)),
        out_shape=jax.ShapeDtypeStruct((G, 128), jnp.float32),
        scratch_shapes=[
            pltpu.VMEM((G, H // 2), jnp.float32),
            pltpu.VMEM((G, H // 2), jnp.float32),
            pltpu.VMEM((G, 1), jnp.float32),
        ],
    )(xs, batch3, l1w, l1b, l2w, l2b)


def kernel(x, edge_index, batch,
           conv0_eps, conv0_W1, conv0_b1, conv0_W2, conv0_b2, conv0_g, conv0_bt,
           conv1_eps, conv1_W1, conv1_b1, conv1_W2, conv1_b2, conv1_g, conv1_bt,
           conv2_eps, conv2_W1, conv2_b1, conv2_W2, conv2_b2, conv2_g, conv2_bt,
           lin1_W, lin1_b, lin2_W, lin2_b):
    f32 = jnp.float32
    src = edge_index[0]
    dst = edge_index[1]

    he = E // 2
    pad0 = jnp.full((EP0 - he,), N, jnp.int32)
    src0 = jnp.stack([jnp.concatenate([src[:he], pad0]),
                      jnp.concatenate([src[he:], pad0])]).reshape(
                          NC, NS, NCH0, CHUNK)
    dst0 = jnp.stack([jnp.concatenate([dst[:he], pad0]),
                      jnp.concatenate([dst[he:], pad0])]).reshape(
                          NC, NS, NCH0, CHUNK)
    idx0 = jnp.stack([src0, dst0], axis=3)

    padh = jnp.full((EP - E,), N, jnp.int32)
    src_p = jnp.concatenate([src, padh])
    dst_p = jnp.concatenate([dst, padh])
    srch = jnp.stack([src_p, src_p + NP]).reshape(NC, NS, NCH, CHUNK)
    dsth = jnp.stack([dst_p, dst_p]).reshape(NC, NS, NCH, CHUNK)
    idxh = jnp.stack([srch, dsth], axis=3)

    batch3 = jnp.concatenate(
        [batch, jnp.full((NP - N,), -1, jnp.int32)]).reshape(NB, 1, RB)

    xp = jnp.pad(x, ((0, NP - N), (0, 0)))
    zeros_h = jnp.zeros((RPT, HW), f32)
    agg_e = _make_agg(NCH0)
    agg_h = _make_agg(NCH)
    bninv = f32(1.0 / np.sqrt(1.0 + 1e-5))

    convs = [
        (conv0_eps, conv0_W1, conv0_b1, conv0_W2, conv0_b2, conv0_g, conv0_bt),
        (conv1_eps, conv1_W1, conv1_b1, conv1_W2, conv1_b2, conv1_g, conv1_bt),
        (conv2_eps, conv2_W1, conv2_b1, conv2_W2, conv2_b2, conv2_g, conv2_bt),
    ]
    xs = None
    for i, (eps, w1, b1, w2, b2, g, bt) in enumerate(convs):
        if i == 0:
            agg = agg_e(xp, idx0, zeros_h)
            xin = jnp.stack([xp, jnp.zeros_like(xp)])
            w1s = jnp.stack([w1, w1])
        else:
            table = xs.reshape(NC * NP, HW)
            agg = agg_h(table, idxh, zeros_h)
            xin = xs
            w1s = jnp.stack([w1[:HW], w1[HW:]])
        cm = (1.0 + eps[0]).reshape(1, 1).astype(f32)
        xs = _mlp_call(agg, xin, w1s, b1.reshape(1, H), w2, b2.reshape(1, H),
                       (g * bninv).reshape(1, H), bt.reshape(1, H), cm)

    l2w_p = jnp.pad(lin2_W, ((0, 0), (0, 128 - C)))
    l2b_p = jnp.pad(lin2_b, (0, 128 - C), constant_values=-1e30).reshape(1, 128)
    out = _head_call(xs, batch3, lin1_W, lin1_b.reshape(1, H), l2w_p, l2b_p)
    return out[:, :C]

# --- scband reference (transcript-rebuilt; emitter-appended) ---
"""Pipeline reference for scband-gin-24721831755946 (READ-ONLY COPY).

The authoritative reference and input builder live on the scoring server;
editing this copy changes nothing except your own understanding.
"""

import jax, jax.numpy as jnp
import numpy as np

N = 10000; E = 320000; D = 128; H = 256; C = 10; G = 64; NL = 3

def _init_linear(key, fan_in, fan_out):
    k1, k2 = jax.random.split(key)
    bound = 1.0 / np.sqrt(fan_in)
    W = jax.random.uniform(k1, (fan_in, fan_out), minval=-bound, maxval=bound, dtype=jnp.float32)
    b = jax.random.uniform(k2, (fan_out,), minval=-bound, maxval=bound, dtype=jnp.float32)
    return W, b

def setup_inputs(seed: int = 0):
    key = jax.random.key(seed)
    ks = jax.random.split(key, 32)
    inp = {}
    inp["x"] = jax.random.normal(ks[0], (N, D), dtype=jnp.float32)
    inp["edge_index"] = jax.random.randint(ks[1], (2, E), 0, N, dtype=jnp.int32)
    inp["batch"] = jnp.sort(jax.random.randint(ks[2], (N,), 0, G, dtype=jnp.int32))
    for i in range(NL):
        din = D if i == 0 else H
        W1, b1 = _init_linear(ks[3 + 4 * i], din, H)
        W2, b2 = _init_linear(ks[4 + 4 * i], H, H)
        inp[f"conv{i}_eps"] = jnp.zeros((1,), dtype=jnp.float32)
        inp[f"conv{i}_W1"] = W1; inp[f"conv{i}_b1"] = b1
        inp[f"conv{i}_W2"] = W2; inp[f"conv{i}_b2"] = b2
        inp[f"conv{i}_g"] = jnp.ones((H,), dtype=jnp.float32)
        inp[f"conv{i}_bt"] = jnp.zeros((H,), dtype=jnp.float32)
    W, b = _init_linear(ks[20], H, H)
    inp["lin1_W"] = W; inp["lin1_b"] = b
    W, b = _init_linear(ks[21], H, C)
    inp["lin2_W"] = W; inp["lin2_b"] = b
    return inp

def _gin_conv(x, src, dst, eps, W1, b1, W2, b2, g, bt):
    # propagate with aggr='add': scatter-add source features into destination nodes
    agg = jnp.zeros(x.shape, x.dtype).at[dst].add(x[src])
    out = agg + (1.0 + eps[0]) * x
    # nn = Linear -> ReLU -> Linear -> ReLU -> BatchNorm1d (eval: running_mean=0, running_var=1)
    h = jnp.maximum(out @ W1 + b1, 0.0)
    h = jnp.maximum(h @ W2 + b2, 0.0)
    h = h / jnp.sqrt(1.0 + 1e-5) * g + bt
    return h

def _forward(x, edge_index, batch, convs, lin1_W, lin1_b, lin2_W, lin2_b):
    src = edge_index[0]; dst = edge_index[1]
    for p in convs:
        x = _gin_conv(x, src, dst, *p)
    sums = jax.ops.segment_sum(x, batch, num_segments=G)
    counts = jax.ops.segment_sum(jnp.ones((x.shape[0], 1), x.dtype), batch, num_segments=G)
    pooled = sums / jnp.maximum(counts, 1.0)  # global_mean_pool
    h = jnp.maximum(pooled @ lin1_W + lin1_b, 0.0)
    # dropout p=0.5 is a no-op in eval mode
    logits = h @ lin2_W + lin2_b
    return jax.nn.log_softmax(logits, axis=-1)

def reference(x, edge_index, batch,
              conv0_eps, conv0_W1, conv0_b1, conv0_W2, conv0_b2, conv0_g, conv0_bt,
              conv1_eps, conv1_W1, conv1_b1, conv1_W2, conv1_b2, conv1_g, conv1_bt,
              conv2_eps, conv2_W1, conv2_b1, conv2_W2, conv2_b2, conv2_g, conv2_bt,
              lin1_W, lin1_b, lin2_W, lin2_b):
    convs = [
        (conv0_eps, conv0_W1, conv0_b1, conv0_W2, conv0_b2, conv0_g, conv0_bt),
        (conv1_eps, conv1_W1, conv1_b1, conv1_W2, conv1_b2, conv1_g, conv1_bt),
        (conv2_eps, conv2_W1, conv2_b1, conv2_W2, conv2_b2, conv2_g, conv2_bt),
    ]
    return _forward(x, edge_index, batch, convs, lin1_W, lin1_b, lin2_W, lin2_b)

if __name__ == "__main__":
    import jax
    _d = setup_inputs()
    print(jax.jit(kernel)(*tuple(_d.values())))

</pallas_src>

<mosaic_0001>
#map = affine_map<(d0, d1) -> (0, 0)>
#map1 = affine_map<(d0, d1) -> (0, 0, 0, 0, 0)>
#map2 = affine_map<(d0, d1) -> (0, 0, 0)>
module attributes {stable_mosaic.version = 14 : i64} {
  func.func @agg_kernel(%arg0: i32, %arg1: i32, %arg2: memref<20480x128xf32, #tpu.memory_space<hbm>>, %arg3: memref<2x16x157x2x128xi32, #tpu.memory_space<hbm>>, %arg4: memref<640x128xf32, #tpu.memory_space<hbm>>, %arg5: memref<2x10240x128xf32, #tpu.memory_space<hbm>>, %arg6: memref<2x128xi32, #tpu.memory_space<vmem>>, %arg7: memref<128x128xf32, #tpu.memory_space<vmem>>, %arg8: memref<10240x128xf32, #tpu.memory_space<vmem_shared>>, %arg9: memref<!tpu.dma_semaphore, #tpu.memory_space<semaphore_mem>>) attributes {dimension_semantics = [#tpu.dimension_semantics<core_parallel>, #tpu.dimension_semantics<subcore_parallel>], iteration_bounds = array<i64: 2, 16>, scalar_prefetch = 0 : i64, scratch_operands = 4 : i64, tpu.core_type = #tpu.core_type<sc_vector_subcore>, window_params = [{transform_indices = #map}, {transform_indices = #map1}, {transform_indices = #map}, {transform_indices = #map2}]} {
    %mul3A = arith.constant 640 : i32
    %mul3A_0 = arith.muli %arg1, %mul3A : i32
    "tpu.region"() ({
      %run_scoped3A = tpu.sem_alloc : memref<!tpu.dma_semaphore, #tpu.memory_space<semaphore_mem>>
      %dma_start3A = arith.constant 0 : i32
      %dma_start3A_11 = tpu.memref_slice %arg8[%mul3A_0, %dma_start3A] : memref<10240x128xf32, #tpu.memory_space<vmem_shared>> -> memref<640x128xf32, #tpu.memory_space<vmem_shared>>
      tpu.enqueue_dma source(%arg4 : memref<640x128xf32, #tpu.memory_space<hbm>>) target(%dma_start3A_11 : memref<640x128xf32, #tpu.memory_space<vmem_shared>>) target_semaphore(%run_scoped3A : memref<!tpu.dma_semaphore, #tpu.memory_space<semaphore_mem>>)
      %dma_wait3A = arith.constant 0 : i32
      %dma_wait3A_12 = tpu.memref_slice %arg8[%mul3A_0, %dma_wait3A] : memref<10240x128xf32, #tpu.memory_space<vmem_shared>> -> memref<640x128xf32, #tpu.memory_space<vmem_shared>>
      tpu.wait_dma2 semaphore(%run_scoped3A : memref<!tpu.dma_semaphore, #tpu.memory_space<semaphore_mem>>) src(%arg4 : memref<640x128xf32, #tpu.memory_space<hbm>>) dst(%dma_wait3A_12 : memref<640x128xf32, #tpu.memory_space<vmem_shared>>)
      tpu.yield
    }) : () -> ()
    %barrier3A = arith.constant 0 : index
    tpu.barrier barrier_id(%barrier3A)
    %scan3A = arith.constant 0 : i32
    %scan3A_1 = arith.constant 0 : i32
    %scan3A_2 = arith.constant 157 : i32
    %scan3A_3 = arith.addi %scan3A_1, %scan3A_2 : i32
    %scan3A_4 = arith.constant 1 : i32
    scf.for %scan3A_11 = %scan3A_1 to %scan3A_3 step %scan3A_4  : i32 {
      "tpu.region"() ({
        %run_scoped3A_24 = tpu.sem_alloc : memref<!tpu.dma_semaphore, #tpu.memory_space<semaphore_mem>>
        %dma_start3A_25 = arith.constant 0 : i32
        %dma_start3A_26 = arith.constant 0 : i32
        %dma_start3A_27 = tpu.memref_slice %arg3[%arg0, %arg1, %scan3A_11, %dma_start3A_25, %dma_start3A_26] : memref<2x16x157x2x128xi32, #tpu.memory_space<hbm>> -> memref<1x1x1x2x128xi32, #tpu.memory_space<hbm>>
        %dma_start3A_28 = tpu.memref_squeeze %dma_start3A_27 : memref<1x1x1x2x128xi32, #tpu.memory_space<hbm>> -> memref<2x128xi32, #tpu.memory_space<hbm>>
        %dma_start3A_29 = arith.constant 0 : i32
        %dma_start3A_30 = arith.constant 0 : i32
        %dma_start3A_31 = tpu.memref_slice %arg3[%arg0, %arg1, %scan3A_11, %dma_start3A_29, %dma_start3A_30] : memref<2x16x157x2x128xi32, #tpu.memory_space<hbm>> -> memref<1x1x1x2x128xi32, #tpu.memory_space<hbm>>
        %dma_start3A_32 = tpu.memref_squeeze %dma_start3A_31 : memref<1x1x1x2x128xi32, #tpu.memory_space<hbm>> -> memref<2x128xi32, #tpu.memory_space<hbm>>
        tpu.enqueue_dma source(%dma_start3A_32 : memref<2x128xi32, #tpu.memory_space<hbm>>) target(%arg6 : memref<2x128xi32, #tpu.memory_space<vmem>>) target_semaphore(%run_scoped3A_24 : memref<!tpu.dma_semaphore, #tpu.memory_space<semaphore_mem>>)
        %dma_wait3A_33 = arith.constant 0 : i32
        %dma_wait3A_34 = arith.constant 0 : i32
        %dma_wait3A_35 = tpu.memref_slice %arg3[%arg0, %arg1, %scan3A_11, %dma_wait3A_33, %dma_wait3A_34] : memref<2x16x157x2x128xi32, #tpu.memory_space<hbm>> -> memref<1x1x1x2x128xi32, #tpu.memory_space<hbm>>
        %dma_wait3A_36 = tpu.memref_squeeze %dma_wait3A_35 : memref<1x1x1x2x128xi32, #tpu.memory_space<hbm>> -> memref<2x128xi32, #tpu.memory_space<hbm>>
        %dma_wait3A_37 = arith.constant 0 : i32
        %dma_wait3A_38 = arith.constant 0 : i32
        %dma_wait3A_39 = tpu.memref_slice %arg3[%arg0, %arg1, %scan3A_11, %dma_wait3A_37, %dma_wait3A_38] : memref<2x16x157x2x128xi32, #tpu.memory_space<hbm>> -> memref<1x1x1x2x128xi32, #tpu.memory_space<hbm>>
        %dma_wait3A_40 = tpu.memref_squeeze %dma_wait3A_39 : memref<1x1x1x2x128xi32, #tpu.memory_space<hbm>> -> memref<2x128xi32, #tpu.memory_space<hbm>>
        tpu.wait_dma2 semaphore(%run_scoped3A_24 : memref<!tpu.dma_semaphore, #tpu.memory_space<semaphore_mem>>) src(%dma_wait3A_40 : memref<2x128xi32, #tpu.memory_space<hbm>>) dst(%arg6 : memref<2x128xi32, #tpu.memory_space<vmem>>)
        tpu.yield
      }) : () -> ()
      %dma_start3A = arith.constant 0 : i32
      %dma_start3A_12 = arith.constant 0 : i32
      %dma_start3A_13 = tpu.memref_slice %arg6[%dma_start3A, %dma_start3A_12] : memref<2x128xi32, #tpu.memory_space<vmem>> -> memref<1x128xi32, #tpu.memory_space<vmem>>
      %dma_start3A_14 = tpu.memref_squeeze %dma_start3A_13 : memref<1x128xi32, #tpu.memory_space<vmem>> -> memref<128xi32, #tpu.memory_space<vmem>>
      %dma_start3A_15 = arith.constant 0 : i32
      %dma_start3A_16 = arith.constant 0 : i32
      %dma_start3A_17 = tpu.memref_slice %arg2[%dma_start3A_15, %dma_start3A_16] : memref<20480x128xf32, #tpu.memory_space<hbm>> -> memref<20480x128xf32, #tpu.memory_space<hbm>>
      tpu.enqueue_indirect_dma source(%dma_start3A_17 : memref<20480x128xf32, #tpu.memory_space<hbm>>) target(%arg7 : memref<128x128xf32, #tpu.memory_space<vmem>>) offsets(%dma_start3A_14 : memref<128xi32, #tpu.memory_space<vmem>>) semaphore(%arg9 : memref<!tpu.dma_semaphore, #tpu.memory_space<semaphore_mem>>)
      %dma_wait3A = arith.constant 0 : i32
      %dma_wait3A_18 = arith.constant 0 : i32
      %dma_wait3A_19 = tpu.memref_slice %arg6[%dma_wait3A, %dma_wait3A_18] : memref<2x128xi32, #tpu.memory_space<vmem>> -> memref<1x128xi32, #tpu.memory_space<vmem>>
      %dma_wait3A_20 = tpu.memref_squeeze %dma_wait3A_19 : memref<1x128xi32, #tpu.memory_space<vmem>> -> memref<128xi32, #tpu.memory_space<vmem>>
      %dma_wait3A_21 = arith.constant 0 : i32
      %dma_wait3A_22 = arith.constant 0 : i32
      %dma_wait3A_23 = tpu.memref_slice %arg2[%dma_wait3A_21, %dma_wait3A_22] : memref<20480x128xf32, #tpu.memory_space<hbm>> -> memref<20480x128xf32, #tpu.memory_space<hbm>>
      tpu.wait_indirect_dma semaphore(%arg9 : memref<!tpu.dma_semaphore, #tpu.memory_space<semaphore_mem>>) src(%dma_wait3A_23 : memref<20480x128xf32, #tpu.memory_space<hbm>>) dst(%arg7 : memref<128x128xf32, #tpu.memory_space<vmem>>)
      %run_scoped3A = arith.constant 1 : i32
      "tpu.region"() ({
        %run_scoped3A_24 = tpu.sem_alloc : memref<!tpu.dma_semaphore, #tpu.memory_space<semaphore_mem>>
        %dma_start3A_25 = arith.constant 0 : i32
        %dma_start3A_26 = tpu.memref_slice %arg6[%run_scoped3A, %dma_start3A_25] : memref<2x128xi32, #tpu.memory_space<vmem>> -> memref<1x128xi32, #tpu.memory_space<vmem>>
        %dma_start3A_27 = tpu.memref_squeeze %dma_start3A_26 : memref<1x128xi32, #tpu.memory_space<vmem>> -> memref<128xi32, #tpu.memory_space<vmem>>
        %dma_start3A_28 = arith.constant 0 : i32
        %dma_start3A_29 = arith.constant 0 : i32
        %dma_start3A_30 = tpu.memref_slice %arg8[%dma_start3A_28, %dma_start3A_29] : memref<10240x128xf32, #tpu.memory_space<vmem_shared>> -> memref<10240x128xf32, #tpu.memory_space<vmem_shared>>
        tpu.enqueue_indirect_dma source(%arg7 : memref<128x128xf32, #tpu.memory_space<vmem>>) target(%dma_start3A_30 : memref<10240x128xf32, #tpu.memory_space<vmem_shared>>) offsets(%dma_start3A_27 : memref<128xi32, #tpu.memory_space<vmem>>) semaphore(%run_scoped3A_24 : memref<!tpu.dma_semaphore, #tpu.memory_space<semaphore_mem>>) {add = true}
        %dma_wait3A_31 = arith.constant 0 : i32
        %dma_wait3A_32 = tpu.memref_slice %arg6[%run_scoped3A, %dma_wait3A_31] : memref<2x128xi32, #tpu.memory_space<vmem>> -> memref<1x128xi32, #tpu.memory_space<vmem>>
        %dma_wait3A_33 = tpu.memref_squeeze %dma_wait3A_32 : memref<1x128xi32, #tpu.memory_space<vmem>> -> memref<128xi32, #tpu.memory_space<vmem>>
        %dma_wait3A_34 = arith.constant 0 : i32
        %dma_wait3A_35 = arith.constant 0 : i32
        %dma_wait3A_36 = tpu.memref_slice %arg8[%dma_wait3A_34, %dma_wait3A_35] : memref<10240x128xf32, #tpu.memory_space<vmem_shared>> -> memref<10240x128xf32, #tpu.memory_space<vmem_shared>>
        tpu.wait_indirect_dma semaphore(%run_scoped3A_24 : memref<!tpu.dma_semaphore, #tpu.memory_space<semaphore_mem>>) src(%arg7 : memref<128x128xf32, #tpu.memory_space<vmem>>) dst(%dma_wait3A_36 : memref<10240x128xf32, #tpu.memory_space<vmem_shared>>)
        tpu.yield
      }) : () -> ()
    }
    %scan3A_5 = arith.constant 157 : i32
    %barrier3A_6 = arith.constant 0 : index
    tpu.barrier barrier_id(%barrier3A_6)
    %mul3A_7 = arith.constant 640 : i32
    %mul3A_8 = arith.muli %arg1, %mul3A_7 : i32
    %mul3A_9 = arith.constant 640 : i32
    %mul3A_10 = arith.muli %arg1, %mul3A_9 : i32
    "tpu.region"() ({
      %run_scoped3A = tpu.sem_alloc : memref<!tpu.dma_semaphore, #tpu.memory_space<semaphore_mem>>
      %dma_start3A = arith.constant 0 : i32
      %dma_start3A_11 = tpu.memref_slice %arg5[%arg0, %mul3A_10, %dma_start3A] : memref<2x10240x128xf32, #tpu.memory_space<hbm>> -> memref<1x640x128xf32, #tpu.memory_space<hbm>>
      %dma_start3A_12 = tpu.memref_squeeze %dma_start3A_11 : memref<1x640x128xf32, #tpu.memory_space<hbm>> -> memref<640x128xf32, #tpu.memory_space<hbm>>
      %dma_start3A_13 = arith.constant 0 : i32
      %dma_start3A_14 = tpu.memref_slice %arg8[%mul3A_8, %dma_start3A_13] : memref<10240x128xf32, #tpu.memory_space<vmem_shared>> -> memref<640x128xf32, #tpu.memory_space<vmem_shared>>
      tpu.enqueue_dma source(%dma_start3A_14 : memref<640x128xf32, #tpu.memory_space<vmem_shared>>) target(%dma_start3A_12 : memref<640x128xf32, #tpu.memory_space<hbm>>) target_semaphore(%run_scoped3A : memref<!tpu.dma_semaphore, #tpu.memory_space<semaphore_mem>>)
      %dma_wait3A = arith.constant 0 : i32
      %dma_wait3A_15 = tpu.memref_slice %arg5[%arg0, %mul3A_10, %dma_wait3A] : memref<2x10240x128xf32, #tpu.memory_space<hbm>> -> memref<1x640x128xf32, #tpu.memory_space<hbm>>
      %dma_wait3A_16 = tpu.memref_squeeze %dma_wait3A_15 : memref<1x640x128xf32, #tpu.memory_space<hbm>> -> memref<640x128xf32, #tpu.memory_space<hbm>>
      %dma_wait3A_17 = arith.constant 0 : i32
      %dma_wait3A_18 = tpu.memref_slice %arg8[%mul3A_8, %dma_wait3A_17] : memref<10240x128xf32, #tpu.memory_space<vmem_shared>> -> memref<640x128xf32, #tpu.memory_space<vmem_shared>>
      tpu.wait_dma2 semaphore(%run_scoped3A : memref<!tpu.dma_semaphore, #tpu.memory_space<semaphore_mem>>) src(%dma_wait3A_18 : memref<640x128xf32, #tpu.memory_space<vmem_shared>>) dst(%dma_wait3A_16 : memref<640x128xf32, #tpu.memory_space<hbm>>)
      tpu.yield
    }) : () -> ()
    return
  }
}

#map = affine_map<(d0, d1) -> (0, 0)>
#map1 = affine_map<(d0, d1) -> (0, 0, 0, 0, 0)>
#map2 = affine_map<(d0, d1) -> (0, 0, 0)>
module attributes {stable_mosaic.version = 14 : i64} {
  func.func @agg_kernel(%arg0: i32, %arg1: i32, %arg2: memref<10240x128xf32, #tpu.memory_space<hbm>>, %arg3: memref<2x16x79x2x128xi32, #tpu.memory_space<hbm>>, %arg4: memref<640x128xf32, #tpu.memory_space<hbm>>, %arg5: memref<2x10240x128xf32, #tpu.memory_space<hbm>>, %arg6: memref<2x128xi32, #tpu.memory_space<vmem>>, %arg7: memref<128x128xf32, #tpu.memory_space<vmem>>, %arg8: memref<10240x128xf32, #tpu.memory_space<vmem_shared>>, %arg9: memref<!tpu.dma_semaphore, #tpu.memory_space<semaphore_mem>>) attributes {dimension_semantics = [#tpu.dimension_semantics<core_parallel>, #tpu.dimension_semantics<subcore_parallel>], iteration_bounds = array<i64: 2, 16>, scalar_prefetch = 0 : i64, scratch_operands = 4 : i64, tpu.core_type = #tpu.core_type<sc_vector_subcore>, window_params = [{transform_indices = #map}, {transform_indices = #map1}, {transform_indices = #map}, {transform_indices = #map2}]} {
    %mul3A = arith.constant 640 : i32
    %mul3A_0 = arith.muli %arg1, %mul3A : i32
    "tpu.region"() ({
      %run_scoped3A = tpu.sem_alloc : memref<!tpu.dma_semaphore, #tpu.memory_space<semaphore_mem>>
      %dma_start3A = arith.constant 0 : i32
      %dma_start3A_11 = tpu.memref_slice %arg8[%mul3A_0, %dma_start3A] : memref<10240x128xf32, #tpu.memory_space<vmem_shared>> -> memref<640x128xf32, #tpu.memory_space<vmem_shared>>
      tpu.enqueue_dma source(%arg4 : memref<640x128xf32, #tpu.memory_space<hbm>>) target(%dma_start3A_11 : memref<640x128xf32, #tpu.memory_space<vmem_shared>>) target_semaphore(%run_scoped3A : memref<!tpu.dma_semaphore, #tpu.memory_space<semaphore_mem>>)
      %dma_wait3A = arith.constant 0 : i32
      %dma_wait3A_12 = tpu.memref_slice %arg8[%mul3A_0, %dma_wait3A] : memref<10240x128xf32, #tpu.memory_space<vmem_shared>> -> memref<640x128xf32, #tpu.memory_space<vmem_shared>>
      tpu.wait_dma2 semaphore(%run_scoped3A : memref<!tpu.dma_semaphore, #tpu.memory_space<semaphore_mem>>) src(%arg4 : memref<640x128xf32, #tpu.memory_space<hbm>>) dst(%dma_wait3A_12 : memref<640x128xf32, #tpu.memory_space<vmem_shared>>)
      tpu.yield
    }) : () -> ()
    %barrier3A = arith.constant 0 : index
    tpu.barrier barrier_id(%barrier3A)
    %scan3A = arith.constant 0 : i32
    %scan3A_1 = arith.constant 0 : i32
    %scan3A_2 = arith.constant 79 : i32
    %scan3A_3 = arith.addi %scan3A_1, %scan3A_2 : i32
    %scan3A_4 = arith.constant 1 : i32
    scf.for %scan3A_11 = %scan3A_1 to %scan3A_3 step %scan3A_4  : i32 {
      "tpu.region"() ({
        %run_scoped3A_24 = tpu.sem_alloc : memref<!tpu.dma_semaphore, #tpu.memory_space<semaphore_mem>>
        %dma_start3A_25 = arith.constant 0 : i32
        %dma_start3A_26 = arith.constant 0 : i32
        %dma_start3A_27 = tpu.memref_slice %arg3[%arg0, %arg1, %scan3A_11, %dma_start3A_25, %dma_start3A_26] : memref<2x16x79x2x128xi32, #tpu.memory_space<hbm>> -> memref<1x1x1x2x128xi32, #tpu.memory_space<hbm>>
        %dma_start3A_28 = tpu.memref_squeeze %dma_start3A_27 : memref<1x1x1x2x128xi32, #tpu.memory_space<hbm>> -> memref<2x128xi32, #tpu.memory_space<hbm>>
        %dma_start3A_29 = arith.constant 0 : i32
        %dma_start3A_30 = arith.constant 0 : i32
        %dma_start3A_31 = tpu.memref_slice %arg3[%arg0, %arg1, %scan3A_11, %dma_start3A_29, %dma_start3A_30] : memref<2x16x79x2x128xi32, #tpu.memory_space<hbm>> -> memref<1x1x1x2x128xi32, #tpu.memory_space<hbm>>
        %dma_start3A_32 = tpu.memref_squeeze %dma_start3A_31 : memref<1x1x1x2x128xi32, #tpu.memory_space<hbm>> -> memref<2x128xi32, #tpu.memory_space<hbm>>
        tpu.enqueue_dma source(%dma_start3A_32 : memref<2x128xi32, #tpu.memory_space<hbm>>) target(%arg6 : memref<2x128xi32, #tpu.memory_space<vmem>>) target_semaphore(%run_scoped3A_24 : memref<!tpu.dma_semaphore, #tpu.memory_space<semaphore_mem>>)
        %dma_wait3A_33 = arith.constant 0 : i32
        %dma_wait3A_34 = arith.constant 0 : i32
        %dma_wait3A_35 = tpu.memref_slice %arg3[%arg0, %arg1, %scan3A_11, %dma_wait3A_33, %dma_wait3A_34] : memref<2x16x79x2x128xi32, #tpu.memory_space<hbm>> -> memref<1x1x1x2x128xi32, #tpu.memory_space<hbm>>
        %dma_wait3A_36 = tpu.memref_squeeze %dma_wait3A_35 : memref<1x1x1x2x128xi32, #tpu.memory_space<hbm>> -> memref<2x128xi32, #tpu.memory_space<hbm>>
        %dma_wait3A_37 = arith.constant 0 : i32
        %dma_wait3A_38 = arith.constant 0 : i32
        %dma_wait3A_39 = tpu.memref_slice %arg3[%arg0, %arg1, %scan3A_11, %dma_wait3A_37, %dma_wait3A_38] : memref<2x16x79x2x128xi32, #tpu.memory_space<hbm>> -> memref<1x1x1x2x128xi32, #tpu.memory_space<hbm>>
        %dma_wait3A_40 = tpu.memref_squeeze %dma_wait3A_39 : memref<1x1x1x2x128xi32, #tpu.memory_space<hbm>> -> memref<2x128xi32, #tpu.memory_space<hbm>>
        tpu.wait_dma2 semaphore(%run_scoped3A_24 : memref<!tpu.dma_semaphore, #tpu.memory_space<semaphore_mem>>) src(%dma_wait3A_40 : memref<2x128xi32, #tpu.memory_space<hbm>>) dst(%arg6 : memref<2x128xi32, #tpu.memory_space<vmem>>)
        tpu.yield
      }) : () -> ()
      %dma_start3A = arith.constant 0 : i32
      %dma_start3A_12 = arith.constant 0 : i32
      %dma_start3A_13 = tpu.memref_slice %arg6[%dma_start3A, %dma_start3A_12] : memref<2x128xi32, #tpu.memory_space<vmem>> -> memref<1x128xi32, #tpu.memory_space<vmem>>
      %dma_start3A_14 = tpu.memref_squeeze %dma_start3A_13 : memref<1x128xi32, #tpu.memory_space<vmem>> -> memref<128xi32, #tpu.memory_space<vmem>>
      %dma_start3A_15 = arith.constant 0 : i32
      %dma_start3A_16 = arith.constant 0 : i32
      %dma_start3A_17 = tpu.memref_slice %arg2[%dma_start3A_15, %dma_start3A_16] : memref<10240x128xf32, #tpu.memory_space<hbm>> -> memref<10240x128xf32, #tpu.memory_space<hbm>>
      tpu.enqueue_indirect_dma source(%dma_start3A_17 : memref<10240x128xf32, #tpu.memory_space<hbm>>) target(%arg7 : memref<128x128xf32, #tpu.memory_space<vmem>>) offsets(%dma_start3A_14 : memref<128xi32, #tpu.memory_space<vmem>>) semaphore(%arg9 : memref<!tpu.dma_semaphore, #tpu.memory_space<semaphore_mem>>)
      %dma_wait3A = arith.constant 0 : i32
      %dma_wait3A_18 = arith.constant 0 : i32
      %dma_wait3A_19 = tpu.memref_slice %arg6[%dma_wait3A, %dma_wait3A_18] : memref<2x128xi32, #tpu.memory_space<vmem>> -> memref<1x128xi32, #tpu.memory_space<vmem>>
      %dma_wait3A_20 = tpu.memref_squeeze %dma_wait3A_19 : memref<1x128xi32, #tpu.memory_space<vmem>> -> memref<128xi32, #tpu.memory_space<vmem>>
      %dma_wait3A_21 = arith.constant 0 : i32
      %dma_wait3A_22 = arith.constant 0 : i32
      %dma_wait3A_23 = tpu.memref_slice %arg2[%dma_wait3A_21, %dma_wait3A_22] : memref<10240x128xf32, #tpu.memory_space<hbm>> -> memref<10240x128xf32, #tpu.memory_space<hbm>>
      tpu.wait_indirect_dma semaphore(%arg9 : memref<!tpu.dma_semaphore, #tpu.memory_space<semaphore_mem>>) src(%dma_wait3A_23 : memref<10240x128xf32, #tpu.memory_space<hbm>>) dst(%arg7 : memref<128x128xf32, #tpu.memory_space<vmem>>)
      %run_scoped3A = arith.constant 1 : i32
      "tpu.region"() ({
        %run_scoped3A_24 = tpu.sem_alloc : memref<!tpu.dma_semaphore, #tpu.memory_space<semaphore_mem>>
        %dma_start3A_25 = arith.constant 0 : i32
        %dma_start3A_26 = tpu.memref_slice %arg6[%run_scoped3A, %dma_start3A_25] : memref<2x128xi32, #tpu.memory_space<vmem>> -> memref<1x128xi32, #tpu.memory_space<vmem>>
        %dma_start3A_27 = tpu.memref_squeeze %dma_start3A_26 : memref<1x128xi32, #tpu.memory_space<vmem>> -> memref<128xi32, #tpu.memory_space<vmem>>
        %dma_start3A_28 = arith.constant 0 : i32
        %dma_start3A_29 = arith.constant 0 : i32
        %dma_start3A_30 = tpu.memref_slice %arg8[%dma_start3A_28, %dma_start3A_29] : memref<10240x128xf32, #tpu.memory_space<vmem_shared>> -> memref<10240x128xf32, #tpu.memory_space<vmem_shared>>
        tpu.enqueue_indirect_dma source(%arg7 : memref<128x128xf32, #tpu.memory_space<vmem>>) target(%dma_start3A_30 : memref<10240x128xf32, #tpu.memory_space<vmem_shared>>) offsets(%dma_start3A_27 : memref<128xi32, #tpu.memory_space<vmem>>) semaphore(%run_scoped3A_24 : memref<!tpu.dma_semaphore, #tpu.memory_space<semaphore_mem>>) {add = true}
        %dma_wait3A_31 = arith.constant 0 : i32
        %dma_wait3A_32 = tpu.memref_slice %arg6[%run_scoped3A, %dma_wait3A_31] : memref<2x128xi32, #tpu.memory_space<vmem>> -> memref<1x128xi32, #tpu.memory_space<vmem>>
        %dma_wait3A_33 = tpu.memref_squeeze %dma_wait3A_32 : memref<1x128xi32, #tpu.memory_space<vmem>> -> memref<128xi32, #tpu.memory_space<vmem>>
        %dma_wait3A_34 = arith.constant 0 : i32
        %dma_wait3A_35 = arith.constant 0 : i32
        %dma_wait3A_36 = tpu.memref_slice %arg8[%dma_wait3A_34, %dma_wait3A_35] : memref<10240x128xf32, #tpu.memory_space<vmem_shared>> -> memref<10240x128xf32, #tpu.memory_space<vmem_shared>>
        tpu.wait_indirect_dma semaphore(%run_scoped3A_24 : memref<!tpu.dma_semaphore, #tpu.memory_space<semaphore_mem>>) src(%arg7 : memref<128x128xf32, #tpu.memory_space<vmem>>) dst(%dma_wait3A_36 : memref<10240x128xf32, #tpu.memory_space<vmem_shared>>)
        tpu.yield
      }) : () -> ()
    }
    %scan3A_5 = arith.constant 79 : i32
    %barrier3A_6 = arith.constant 0 : index
    tpu.barrier barrier_id(%barrier3A_6)
    %mul3A_7 = arith.constant 640 : i32
    %mul3A_8 = arith.muli %arg1, %mul3A_7 : i32
    %mul3A_9 = arith.constant 640 : i32
    %mul3A_10 = arith.muli %arg1, %mul3A_9 : i32
    "tpu.region"() ({
      %run_scoped3A = tpu.sem_alloc : memref<!tpu.dma_semaphore, #tpu.memory_space<semaphore_mem>>
      %dma_start3A = arith.constant 0 : i32
      %dma_start3A_11 = tpu.memref_slice %arg5[%arg0, %mul3A_10, %dma_start3A] : memref<2x10240x128xf32, #tpu.memory_space<hbm>> -> memref<1x640x128xf32, #tpu.memory_space<hbm>>
      %dma_start3A_12 = tpu.memref_squeeze %dma_start3A_11 : memref<1x640x128xf32, #tpu.memory_space<hbm>> -> memref<640x128xf32, #tpu.memory_space<hbm>>
      %dma_start3A_13 = arith.constant 0 : i32
      %dma_start3A_14 = tpu.memref_slice %arg8[%mul3A_8, %dma_start3A_13] : memref<10240x128xf32, #tpu.memory_space<vmem_shared>> -> memref<640x128xf32, #tpu.memory_space<vmem_shared>>
      tpu.enqueue_dma source(%dma_start3A_14 : memref<640x128xf32, #tpu.memory_space<vmem_shared>>) target(%dma_start3A_12 : memref<640x128xf32, #tpu.memory_space<hbm>>) target_semaphore(%run_scoped3A : memref<!tpu.dma_semaphore, #tpu.memory_space<semaphore_mem>>)
      %dma_wait3A = arith.constant 0 : i32
      %dma_wait3A_15 = tpu.memref_slice %arg5[%arg0, %mul3A_10, %dma_wait3A] : memref<2x10240x128xf32, #tpu.memory_space<hbm>> -> memref<1x640x128xf32, #tpu.memory_space<hbm>>
      %dma_wait3A_16 = tpu.memref_squeeze %dma_wait3A_15 : memref<1x640x128xf32, #tpu.memory_space<hbm>> -> memref<640x128xf32, #tpu.memory_space<hbm>>
      %dma_wait3A_17 = arith.constant 0 : i32
      %dma_wait3A_18 = tpu.memref_slice %arg8[%mul3A_8, %dma_wait3A_17] : memref<10240x128xf32, #tpu.memory_space<vmem_shared>> -> memref<640x128xf32, #tpu.memory_space<vmem_shared>>
      tpu.wait_dma2 semaphore(%run_scoped3A : memref<!tpu.dma_semaphore, #tpu.memory_space<semaphore_mem>>) src(%dma_wait3A_18 : memref<640x128xf32, #tpu.memory_space<vmem_shared>>) dst(%dma_wait3A_16 : memref<640x128xf32, #tpu.memory_space<hbm>>)
      tpu.yield
    }) : () -> ()
    return
  }
}

#map = affine_map<(d0, d1) -> (0, 0)>
#map1 = affine_map<(d0, d1) -> (0, 0, 0, 0, 0)>
#map2 = affine_map<(d0, d1) -> (0, 0, 0)>
module attributes {stable_mosaic.version = 14 : i64} {
  func.func @agg_kernel(%arg0: i32, %arg1: i32, %arg2: memref<20480x128xf32, #tpu.memory_space<hbm>>, %arg3: memref<2x16x157x2x128xi32, #tpu.memory_space<hbm>>, %arg4: memref<640x128xf32, #tpu.memory_space<hbm>>, %arg5: memref<2x10240x128xf32, #tpu.memory_space<hbm>>, %arg6: memref<2x128xi32, #tpu.memory_space<vmem>>, %arg7: memref<128x128xf32, #tpu.memory_space<vmem>>, %arg8: memref<10240x128xf32, #tpu.memory_space<vmem_shared>>, %arg9: memref<!tpu.dma_semaphore, #tpu.memory_space<semaphore_mem>>) attributes {dimension_semantics = [#tpu.dimension_semantics<core_parallel>, #tpu.dimension_semantics<subcore_parallel>], iteration_bounds = array<i64: 2, 16>, scalar_prefetch = 0 : i64, scratch_operands = 4 : i64, tpu.core_type = #tpu.core_type<sc_vector_subcore>, window_params = [{transform_indices = #map}, {transform_indices = #map1}, {transform_indices = #map}, {transform_indices = #map2}]} {
    %mul3A = arith.constant 640 : i32
    %mul3A_0 = arith.muli %arg1, %mul3A : i32
    "tpu.region"() ({
      %run_scoped3A = tpu.sem_alloc : memref<!tpu.dma_semaphore, #tpu.memory_space<semaphore_mem>>
      %dma_start3A = arith.constant 0 : i32
      %dma_start3A_11 = tpu.memref_slice %arg8[%mul3A_0, %dma_start3A] : memref<10240x128xf32, #tpu.memory_space<vmem_shared>> -> memref<640x128xf32, #tpu.memory_space<vmem_shared>>
      tpu.enqueue_dma source(%arg4 : memref<640x128xf32, #tpu.memory_space<hbm>>) target(%dma_start3A_11 : memref<640x128xf32, #tpu.memory_space<vmem_shared>>) target_semaphore(%run_scoped3A : memref<!tpu.dma_semaphore, #tpu.memory_space<semaphore_mem>>)
      %dma_wait3A = arith.constant 0 : i32
      %dma_wait3A_12 = tpu.memref_slice %arg8[%mul3A_0, %dma_wait3A] : memref<10240x128xf32, #tpu.memory_space<vmem_shared>> -> memref<640x128xf32, #tpu.memory_space<vmem_shared>>
      tpu.wait_dma2 semaphore(%run_scoped3A : memref<!tpu.dma_semaphore, #tpu.memory_space<semaphore_mem>>) src(%arg4 : memref<640x128xf32, #tpu.memory_space<hbm>>) dst(%dma_wait3A_12 : memref<640x128xf32, #tpu.memory_space<vmem_shared>>)
      tpu.yield
    }) : () -> ()
    %barrier3A = arith.constant 0 : index
    tpu.barrier barrier_id(%barrier3A)
    %scan3A = arith.constant 0 : i32
    %scan3A_1 = arith.constant 0 : i32
    %scan3A_2 = arith.constant 157 : i32
    %scan3A_3 = arith.addi %scan3A_1, %scan3A_2 : i32
    %scan3A_4 = arith.constant 1 : i32
    scf.for %scan3A_11 = %scan3A_1 to %scan3A_3 step %scan3A_4  : i32 {
      "tpu.region"() ({
        %run_scoped3A_24 = tpu.sem_alloc : memref<!tpu.dma_semaphore, #tpu.memory_space<semaphore_mem>>
        %dma_start3A_25 = arith.constant 0 : i32
        %dma_start3A_26 = arith.constant 0 : i32
        %dma_start3A_27 = tpu.memref_slice %arg3[%arg0, %arg1, %scan3A_11, %dma_start3A_25, %dma_start3A_26] : memref<2x16x157x2x128xi32, #tpu.memory_space<hbm>> -> memref<1x1x1x2x128xi32, #tpu.memory_space<hbm>>
        %dma_start3A_28 = tpu.memref_squeeze %dma_start3A_27 : memref<1x1x1x2x128xi32, #tpu.memory_space<hbm>> -> memref<2x128xi32, #tpu.memory_space<hbm>>
        %dma_start3A_29 = arith.constant 0 : i32
        %dma_start3A_30 = arith.constant 0 : i32
        %dma_start3A_31 = tpu.memref_slice %arg3[%arg0, %arg1, %scan3A_11, %dma_start3A_29, %dma_start3A_30] : memref<2x16x157x2x128xi32, #tpu.memory_space<hbm>> -> memref<1x1x1x2x128xi32, #tpu.memory_space<hbm>>
        %dma_start3A_32 = tpu.memref_squeeze %dma_start3A_31 : memref<1x1x1x2x128xi32, #tpu.memory_space<hbm>> -> memref<2x128xi32, #tpu.memory_space<hbm>>
        tpu.enqueue_dma source(%dma_start3A_32 : memref<2x128xi32, #tpu.memory_space<hbm>>) target(%arg6 : memref<2x128xi32, #tpu.memory_space<vmem>>) target_semaphore(%run_scoped3A_24 : memref<!tpu.dma_semaphore, #tpu.memory_space<semaphore_mem>>)
        %dma_wait3A_33 = arith.constant 0 : i32
        %dma_wait3A_34 = arith.constant 0 : i32
        %dma_wait3A_35 = tpu.memref_slice %arg3[%arg0, %arg1, %scan3A_11, %dma_wait3A_33, %dma_wait3A_34] : memref<2x16x157x2x128xi32, #tpu.memory_space<hbm>> -> memref<1x1x1x2x128xi32, #tpu.memory_space<hbm>>
        %dma_wait3A_36 = tpu.memref_squeeze %dma_wait3A_35 : memref<1x1x1x2x128xi32, #tpu.memory_space<hbm>> -> memref<2x128xi32, #tpu.memory_space<hbm>>
        %dma_wait3A_37 = arith.constant 0 : i32
        %dma_wait3A_38 = arith.constant 0 : i32
        %dma_wait3A_39 = tpu.memref_slice %arg3[%arg0, %arg1, %scan3A_11, %dma_wait3A_37, %dma_wait3A_38] : memref<2x16x157x2x128xi32, #tpu.memory_space<hbm>> -> memref<1x1x1x2x128xi32, #tpu.memory_space<hbm>>
        %dma_wait3A_40 = tpu.memref_squeeze %dma_wait3A_39 : memref<1x1x1x2x128xi32, #tpu.memory_space<hbm>> -> memref<2x128xi32, #tpu.memory_space<hbm>>
        tpu.wait_dma2 semaphore(%run_scoped3A_24 : memref<!tpu.dma_semaphore, #tpu.memory_space<semaphore_mem>>) src(%dma_wait3A_40 : memref<2x128xi32, #tpu.memory_space<hbm>>) dst(%arg6 : memref<2x128xi32, #tpu.memory_space<vmem>>)
        tpu.yield
      }) : () -> ()
      %dma_start3A = arith.constant 0 : i32
      %dma_start3A_12 = arith.constant 0 : i32
      %dma_start3A_13 = tpu.memref_slice %arg6[%dma_start3A, %dma_start3A_12] : memref<2x128xi32, #tpu.memory_space<vmem>> -> memref<1x128xi32, #tpu.memory_space<vmem>>
      %dma_start3A_14 = tpu.memref_squeeze %dma_start3A_13 : memref<1x128xi32, #tpu.memory_space<vmem>> -> memref<128xi32, #tpu.memory_space<vmem>>
      %dma_start3A_15 = arith.constant 0 : i32
      %dma_start3A_16 = arith.constant 0 : i32
      %dma_start3A_17 = tpu.memref_slice %arg2[%dma_start3A_15, %dma_start3A_16] : memref<20480x128xf32, #tpu.memory_space<hbm>> -> memref<20480x128xf32, #tpu.memory_space<hbm>>
      tpu.enqueue_indirect_dma source(%dma_start3A_17 : memref<20480x128xf32, #tpu.memory_space<hbm>>) target(%arg7 : memref<128x128xf32, #tpu.memory_space<vmem>>) offsets(%dma_start3A_14 : memref<128xi32, #tpu.memory_space<vmem>>) semaphore(%arg9 : memref<!tpu.dma_semaphore, #tpu.memory_space<semaphore_mem>>)
      %dma_wait3A = arith.constant 0 : i32
      %dma_wait3A_18 = arith.constant 0 : i32
      %dma_wait3A_19 = tpu.memref_slice %arg6[%dma_wait3A, %dma_wait3A_18] : memref<2x128xi32, #tpu.memory_space<vmem>> -> memref<1x128xi32, #tpu.memory_space<vmem>>
      %dma_wait3A_20 = tpu.memref_squeeze %dma_wait3A_19 : memref<1x128xi32, #tpu.memory_space<vmem>> -> memref<128xi32, #tpu.memory_space<vmem>>
      %dma_wait3A_21 = arith.constant 0 : i32
      %dma_wait3A_22 = arith.constant 0 : i32
      %dma_wait3A_23 = tpu.memref_slice %arg2[%dma_wait3A_21, %dma_wait3A_22] : memref<20480x128xf32, #tpu.memory_space<hbm>> -> memref<20480x128xf32, #tpu.memory_space<hbm>>
      tpu.wait_indirect_dma semaphore(%arg9 : memref<!tpu.dma_semaphore, #tpu.memory_space<semaphore_mem>>) src(%dma_wait3A_23 : memref<20480x128xf32, #tpu.memory_space<hbm>>) dst(%arg7 : memref<128x128xf32, #tpu.memory_space<vmem>>)
      %run_scoped3A = arith.constant 1 : i32
      "tpu.region"() ({
        %run_scoped3A_24 = tpu.sem_alloc : memref<!tpu.dma_semaphore, #tpu.memory_space<semaphore_mem>>
        %dma_start3A_25 = arith.constant 0 : i32
        %dma_start3A_26 = tpu.memref_slice %arg6[%run_scoped3A, %dma_start3A_25] : memref<2x128xi32, #tpu.memory_space<vmem>> -> memref<1x128xi32, #tpu.memory_space<vmem>>
        %dma_start3A_27 = tpu.memref_squeeze %dma_start3A_26 : memref<1x128xi32, #tpu.memory_space<vmem>> -> memref<128xi32, #tpu.memory_space<vmem>>
        %dma_start3A_28 = arith.constant 0 : i32
        %dma_start3A_29 = arith.constant 0 : i32
        %dma_start3A_30 = tpu.memref_slice %arg8[%dma_start3A_28, %dma_start3A_29] : memref<10240x128xf32, #tpu.memory_space<vmem_shared>> -> memref<10240x128xf32, #tpu.memory_space<vmem_shared>>
        tpu.enqueue_indirect_dma source(%arg7 : memref<128x128xf32, #tpu.memory_space<vmem>>) target(%dma_start3A_30 : memref<10240x128xf32, #tpu.memory_space<vmem_shared>>) offsets(%dma_start3A_27 : memref<128xi32, #tpu.memory_space<vmem>>) semaphore(%run_scoped3A_24 : memref<!tpu.dma_semaphore, #tpu.memory_space<semaphore_mem>>) {add = true}
        %dma_wait3A_31 = arith.constant 0 : i32
        %dma_wait3A_32 = tpu.memref_slice %arg6[%run_scoped3A, %dma_wait3A_31] : memref<2x128xi32, #tpu.memory_space<vmem>> -> memref<1x128xi32, #tpu.memory_space<vmem>>
        %dma_wait3A_33 = tpu.memref_squeeze %dma_wait3A_32 : memref<1x128xi32, #tpu.memory_space<vmem>> -> memref<128xi32, #tpu.memory_space<vmem>>
        %dma_wait3A_34 = arith.constant 0 : i32
        %dma_wait3A_35 = arith.constant 0 : i32
        %dma_wait3A_36 = tpu.memref_slice %arg8[%dma_wait3A_34, %dma_wait3A_35] : memref<10240x128xf32, #tpu.memory_space<vmem_shared>> -> memref<10240x128xf32, #tpu.memory_space<vmem_shared>>
        tpu.wait_indirect_dma semaphore(%run_scoped3A_24 : memref<!tpu.dma_semaphore, #tpu.memory_space<semaphore_mem>>) src(%arg7 : memref<128x128xf32, #tpu.memory_space<vmem>>) dst(%dma_wait3A_36 : memref<10240x128xf32, #tpu.memory_space<vmem_shared>>)
        tpu.yield
      }) : () -> ()
    }
    %scan3A_5 = arith.constant 157 : i32
    %barrier3A_6 = arith.constant 0 : index
    tpu.barrier barrier_id(%barrier3A_6)
    %mul3A_7 = arith.constant 640 : i32
    %mul3A_8 = arith.muli %arg1, %mul3A_7 : i32
    %mul3A_9 = arith.constant 640 : i32
    %mul3A_10 = arith.muli %arg1, %mul3A_9 : i32
    "tpu.region"() ({
      %run_scoped3A = tpu.sem_alloc : memref<!tpu.dma_semaphore, #tpu.memory_space<semaphore_mem>>
      %dma_start3A = arith.constant 0 : i32
      %dma_start3A_11 = tpu.memref_slice %arg5[%arg0, %mul3A_10, %dma_start3A] : memref<2x10240x128xf32, #tpu.memory_space<hbm>> -> memref<1x640x128xf32, #tpu.memory_space<hbm>>
      %dma_start3A_12 = tpu.memref_squeeze %dma_start3A_11 : memref<1x640x128xf32, #tpu.memory_space<hbm>> -> memref<640x128xf32, #tpu.memory_space<hbm>>
      %dma_start3A_13 = arith.constant 0 : i32
      %dma_start3A_14 = tpu.memref_slice %arg8[%mul3A_8, %dma_start3A_13] : memref<10240x128xf32, #tpu.memory_space<vmem_shared>> -> memref<640x128xf32, #tpu.memory_space<vmem_shared>>
      tpu.enqueue_dma source(%dma_start3A_14 : memref<640x128xf32, #tpu.memory_space<vmem_shared>>) target(%dma_start3A_12 : memref<640x128xf32, #tpu.memory_space<hbm>>) target_semaphore(%run_scoped3A : memref<!tpu.dma_semaphore, #tpu.memory_space<semaphore_mem>>)
      %dma_wait3A = arith.constant 0 : i32
      %dma_wait3A_15 = tpu.memref_slice %arg5[%arg0, %mul3A_10, %dma_wait3A] : memref<2x10240x128xf32, #tpu.memory_space<hbm>> -> memref<1x640x128xf32, #tpu.memory_space<hbm>>
      %dma_wait3A_16 = tpu.memref_squeeze %dma_wait3A_15 : memref<1x640x128xf32, #tpu.memory_space<hbm>> -> memref<640x128xf32, #tpu.memory_space<hbm>>
      %dma_wait3A_17 = arith.constant 0 : i32
      %dma_wait3A_18 = tpu.memref_slice %arg8[%mul3A_8, %dma_wait3A_17] : memref<10240x128xf32, #tpu.memory_space<vmem_shared>> -> memref<640x128xf32, #tpu.memory_space<vmem_shared>>
      tpu.wait_dma2 semaphore(%run_scoped3A : memref<!tpu.dma_semaphore, #tpu.memory_space<semaphore_mem>>) src(%dma_wait3A_18 : memref<640x128xf32, #tpu.memory_space<vmem_shared>>) dst(%dma_wait3A_16 : memref<640x128xf32, #tpu.memory_space<hbm>>)
      tpu.yield
    }) : () -> ()
    return
  }
}

module attributes {stable_mosaic.version = 14 : i64} {
  func.func @_mlp_body(%arg0: i32, %arg1: memref<2x512x128xf32, #tpu.memory_space<vmem>>, %arg2: memref<2x512x128xf32, #tpu.memory_space<vmem>>, %arg3: memref<2x128x256xf32, #tpu.memory_space<vmem>>, %arg4: memref<1x256xf32, #tpu.memory_space<vmem>>, %arg5: memref<256x256xf32, #tpu.memory_space<vmem>>, %arg6: memref<1x256xf32, #tpu.memory_space<vmem>>, %arg7: memref<1x256xf32, #tpu.memory_space<vmem>>, %arg8: memref<1x256xf32, #tpu.memory_space<vmem>>, %arg9: memref<1x1xf32, #tpu.memory_space<vmem>>, %arg10: memref<2x512x128xf32, #tpu.memory_space<vmem>>) attributes {dimension_semantics = [#tpu.dimension_semantics<arbitrary>], iteration_bounds = array<i64: 20>, scalar_prefetch = 0 : i64, scratch_operands = 0 : i64, tpu.core_type = #tpu.core_type<tc>, window_params = [{transform_indices = @transform_0, window_bounds = array<i64: 2, 512, 128>}, {transform_indices = @transform_1, window_bounds = array<i64: 2, 512, 128>}, {pipeline_mode = #tpu.pipeline_mode<synchronous>, transform_indices = @transform_2, window_bounds = array<i64: 2, 128, 256>}, {pipeline_mode = #tpu.pipeline_mode<synchronous>, transform_indices = @transform_3, window_bounds = array<i64: 1, 256>}, {pipeline_mode = #tpu.pipeline_mode<synchronous>, transform_indices = @transform_4, window_bounds = array<i64: 256, 256>}, {pipeline_mode = #tpu.pipeline_mode<synchronous>, transform_indices = @transform_5, window_bounds = array<i64: 1, 256>}, {pipeline_mode = #tpu.pipeline_mode<synchronous>, transform_indices = @transform_6, window_bounds = array<i64: 1, 256>}, {pipeline_mode = #tpu.pipeline_mode<synchronous>, transform_indices = @transform_7, window_bounds = array<i64: 1, 256>}, {pipeline_mode = #tpu.pipeline_mode<synchronous>, transform_indices = @transform_8, window_bounds = array<i64: 1, 1>}, {transform_indices = @transform_9, window_bounds = array<i64: 2, 512, 128>}]} {
    %get3A = arith.constant 0 : index
    %get3A_0 = arith.constant 0 : index
    %get3A_1 = vector.load %arg9[%get3A, %get3A_0] : memref<1x1xf32, #tpu.memory_space<vmem>>, vector<1x1xf32>
    %get3A_2 = vector.extract %get3A_1[0, 0] : f32 from vector<1x1xf32>
    %get3A_3 = arith.constant 0 : index
    %get3A_4 = arith.constant 0 : index
    %get3A_5 = arith.constant 0 : index
    %get3A_6 = vector.load %arg1[%get3A_3, %get3A_4, %get3A_5] : memref<2x512x128xf32, #tpu.memory_space<vmem>>, vector<1x512x128xf32>
    %get3A_7 = vector.shape_cast %get3A_6 : vector<1x512x128xf32> to vector<512x128xf32>
    %get3A_8 = arith.constant 0 : index
    %get3A_9 = arith.constant 0 : index
    %get3A_10 = arith.constant 0 : index
    %get3A_11 = vector.load %arg2[%get3A_8, %get3A_9, %get3A_10] : memref<2x512x128xf32, #tpu.memory_space<vmem>>, vector<1x512x128xf32>
    %get3A_12 = vector.shape_cast %get3A_11 : vector<1x512x128xf32> to vector<512x128xf32>
    %mul3A = vector.broadcast %get3A_2 : f32 to vector<512x128xf32>
    %mul3A_13 = arith.mulf %mul3A, %get3A_12 : vector<512x128xf32>
    %add3A = arith.addf %get3A_7, %mul3A_13 : vector<512x128xf32>
    %get3A_14 = arith.constant 1 : index
    %get3A_15 = arith.constant 0 : index
    %get3A_16 = arith.constant 0 : index
    %get3A_17 = vector.load %arg1[%get3A_14, %get3A_15, %get3A_16] : memref<2x512x128xf32, #tpu.memory_space<vmem>>, vector<1x512x128xf32>
    %get3A_18 = vector.shape_cast %get3A_17 : vector<1x512x128xf32> to vector<512x128xf32>
    %get3A_19 = arith.constant 1 : index
    %get3A_20 = arith.constant 0 : index
    %get3A_21 = arith.constant 0 : index
    %get3A_22 = vector.load %arg2[%get3A_19, %get3A_20, %get3A_21] : memref<2x512x128xf32, #tpu.memory_space<vmem>>, vector<1x512x128xf32>
    %get3A_23 = vector.shape_cast %get3A_22 : vector<1x512x128xf32> to vector<512x128xf32>
    %mul3A_24 = vector.broadcast %get3A_2 : f32 to vector<512x128xf32>
    %mul3A_25 = arith.mulf %mul3A_24, %get3A_23 : vector<512x128xf32>
    %add3A_26 = arith.addf %get3A_18, %mul3A_25 : vector<512x128xf32>
    %get3A_27 = arith.constant 0 : index
    %get3A_28 = arith.constant 0 : index
    %get3A_29 = arith.constant 0 : index
    %get3A_30 = vector.load %arg3[%get3A_27, %get3A_28, %get3A_29] : memref<2x128x256xf32, #tpu.memory_space<vmem>>, vector<1x128x256xf32>
    %get3A_31 = vector.shape_cast %get3A_30 : vector<1x128x256xf32> to vector<128x256xf32>
    %dot_general3A = arith.constant dense<0.000000e+00> : vector<512x256xf32>
    %dot_general3A_32 = tpu.matmul %add3A, %get3A_31, %dot_general3A {dimension_numbers = #tpu.dot_dimension_numbers<[1], [0], [0], [1], [0, 0, 1, 1], [], []>, transpose_lhs_hint = false} : vector<512x128xf32>, vector<128x256xf32>, vector<512x256xf32> -> vector<512x256xf32>
    %get3A_33 = arith.constant 1 : index
    %get3A_34 = arith.constant 0 : index
    %get3A_35 = arith.constant 0 : index
    %get3A_36 = vector.load %arg3[%get3A_33, %get3A_34, %get3A_35] : memref<2x128x256xf32, #tpu.memory_space<vmem>>, vector<1x128x256xf32>
    %get3A_37 = vector.shape_cast %get3A_36 : vector<1x128x256xf32> to vector<128x256xf32>
    %dot_general3A_38 = arith.constant dense<0.000000e+00> : vector<512x256xf32>
    %dot_general3A_39 = tpu.matmul %add3A_26, %get3A_37, %dot_general3A_38 {dimension_numbers = #tpu.dot_dimension_numbers<[1], [0], [0], [1], [0, 0, 1, 1], [], []>, transpose_lhs_hint = false} : vector<512x128xf32>, vector<128x256xf32>, vector<512x256xf32> -> vector<512x256xf32>
    %add3A_40 = arith.addf %dot_general3A_32, %dot_general3A_39 : vector<512x256xf32>
    %get3A_41 = arith.constant 0 : index
    %get3A_42 = arith.constant 0 : index
    %get3A_43 = vector.load %arg4[%get3A_41, %get3A_42] : memref<1x256xf32, #tpu.memory_space<vmem>>, vector<1x256xf32>
    %add3A_44 = vector.broadcast %get3A_43 : vector<1x256xf32> to vector<512x256xf32>
    %add3A_45 = arith.addf %add3A_40, %add3A_44 : vector<512x256xf32>
    %max3A = arith.constant 0.000000e+00 : f32
    %max3A_46 = vector.broadcast %max3A : f32 to vector<512x256xf32>
    %max3A_47 = arith.maximumf %add3A_45, %max3A_46 : vector<512x256xf32>
    %get3A_48 = arith.constant 0 : index
    %get3A_49 = arith.constant 0 : index
    %get3A_50 = vector.load %arg5[%get3A_48, %get3A_49] : memref<256x256xf32, #tpu.memory_space<vmem>>, vector<256x256xf32>
    %dot_general3A_51 = arith.constant dense<0.000000e+00> : vector<512x256xf32>
    %dot_general3A_52 = tpu.matmul %max3A_47, %get3A_50, %dot_general3A_51 {dimension_numbers = #tpu.dot_dimension_numbers<[1], [0], [0], [1], [0, 0, 1, 1], [], []>, transpose_lhs_hint = false} : vector<512x256xf32>, vector<256x256xf32>, vector<512x256xf32> -> vector<512x256xf32>
    %get3A_53 = arith.constant 0 : index
    %get3A_54 = arith.constant 0 : index
    %get3A_55 = vector.load %arg6[%get3A_53, %get3A_54] : memref<1x256xf32, #tpu.memory_space<vmem>>, vector<1x256xf32>
    %add3A_56 = vector.broadcast %get3A_55 : vector<1x256xf32> to vector<512x256xf32>
    %add3A_57 = arith.addf %dot_general3A_52, %add3A_56 : vector<512x256xf32>
    %max3A_58 = arith.constant 0.000000e+00 : f32
    %max3A_59 = vector.broadcast %max3A_58 : f32 to vector<512x256xf32>
    %max3A_60 = arith.maximumf %add3A_57, %max3A_59 : vector<512x256xf32>
    %get3A_61 = arith.constant 0 : index
    %get3A_62 = arith.constant 0 : index
    %get3A_63 = vector.load %arg7[%get3A_61, %get3A_62] : memref<1x256xf32, #tpu.memory_space<vmem>>, vector<1x256xf32>
    %mul3A_64 = vector.broadcast %get3A_63 : vector<1x256xf32> to vector<512x256xf32>
    %mul3A_65 = arith.mulf %max3A_60, %mul3A_64 : vector<512x256xf32>
    %get3A_66 = arith.constant 0 : index
    %get3A_67 = arith.constant 0 : index
    %get3A_68 = vector.load %arg8[%get3A_66, %get3A_67] : memref<1x256xf32, #tpu.memory_space<vmem>>, vector<1x256xf32>
    %add3A_69 = vector.broadcast %get3A_68 : vector<1x256xf32> to vector<512x256xf32>
    %add3A_70 = arith.addf %mul3A_65, %add3A_69 : vector<512x256xf32>
    %mul3A_71 = arith.constant 512 : i32
    %mul3A_72 = arith.muli %arg0, %mul3A_71 : i32
    %iota3A = tpu.iota {dimensions = array<i32: 0>} : vector<512x1xi32>
    %add3A_73 = vector.broadcast %mul3A_72 : i32 to vector<512x1xi32>
    %add3A_74 = arith.addi %add3A_73, %iota3A : vector<512x1xi32>
    %lt3A = arith.constant 10000 : i32
    %lt3A_75 = vector.broadcast %lt3A : i32 to vector<512x1xi32>
    %lt3A_76 = arith.cmpi slt, %add3A_74, %lt3A_75 : vector<512x1xi32>
    %jit3A = arith.constant 0.000000e+00 : f32
    %broadcast_in_dim3A = vector.shape_cast %lt3A_76 : vector<512x1xi1> to vector<512x1xi1>
    %broadcast_in_dim3A_77 = vector.broadcast %broadcast_in_dim3A : vector<512x1xi1> to vector<512x256xi1>
    %broadcast_in_dim3A_78 = vector.broadcast %jit3A : f32 to vector<512x256xf32>
    %select_n3A = arith.select %broadcast_in_dim3A_77, %add3A_70, %broadcast_in_dim3A_78 : vector<512x256xi1>, vector<512x256xf32>
    %slice3A = vector.extract_strided_slice %select_n3A {offsets = [0, 0], sizes = [512, 128], strides = [1, 1]} : vector<512x256xf32> to vector<512x128xf32>
    %swap3A = arith.constant 0 : index
    %swap3A_79 = arith.constant 0 : index
    %swap3A_80 = arith.constant 0 : index
    %swap3A_81 = vector.load %arg10[%swap3A, %swap3A_79, %swap3A_80] : memref<2x512x128xf32, #tpu.memory_space<vmem>>, vector<1x512x128xf32>
    %swap3A_82 = vector.shape_cast %swap3A_81 : vector<1x512x128xf32> to vector<512x128xf32>
    %swap3A_83 = vector.shape_cast %slice3A : vector<512x128xf32> to vector<1x512x128xf32>
    tpu.vector_store %arg10[%swap3A, %swap3A_79, %swap3A_80], %swap3A_83 {strides = array<i32>} : memref<2x512x128xf32, #tpu.memory_space<vmem>>, vector<1x512x128xf32>,
    %slice3A_84 = vector.extract_strided_slice %select_n3A {offsets = [0, 128], sizes = [512, 128], strides = [1, 1]} : vector<512x256xf32> to vector<512x128xf32>
    %swap3A_85 = arith.constant 1 : index
    %swap3A_86 = arith.constant 0 : index
    %swap3A_87 = arith.constant 0 : index
    %swap3A_88 = vector.load %arg10[%swap3A_85, %swap3A_86, %swap3A_87] : memref<2x512x128xf32, #tpu.memory_space<vmem>>, vector<1x512x128xf32>
    %swap3A_89 = vector.shape_cast %swap3A_88 : vector<1x512x128xf32> to vector<512x128xf32>
    %swap3A_90 = vector.shape_cast %slice3A_84 : vector<512x128xf32> to vector<1x512x128xf32>
    tpu.vector_store %arg10[%swap3A_85, %swap3A_86, %swap3A_87], %swap3A_90 {strides = array<i32>} : memref<2x512x128xf32, #tpu.memory_space<vmem>>, vector<1x512x128xf32>,
    return
  }
  func.func @transform_0(%arg0: i32) -> (i32, i32, i32) {
    %c0_i32 = arith.constant 0 : i32
    %c0_i32_0 = arith.constant 0 : i32
    %c0_i32_1 = arith.constant 0 : i32
    return %c0_i32, %arg0, %c0_i32_0 : i32, i32, i32
  }
  func.func @transform_1(%arg0: i32) -> (i32, i32, i32) {
    %c0_i32 = arith.constant 0 : i32
    %c0_i32_0 = arith.constant 0 : i32
    %c0_i32_1 = arith.constant 0 : i32
    return %c0_i32, %arg0, %c0_i32_0 : i32, i32, i32
  }
  func.func @transform_2(%arg0: i32) -> (i32, i32, i32) {
    %c0_i32 = arith.constant 0 : i32
    %c0_i32_0 = arith.constant 0 : i32
    %c0_i32_1 = arith.constant 0 : i32
    %c0_i32_2 = arith.constant 0 : i32
    return %c0_i32, %c0_i32_0, %c0_i32_1 : i32, i32, i32
  }
  func.func @transform_3(%arg0: i32) -> (i32, i32) {
    %c0_i32 = arith.constant 0 : i32
    %c0_i32_0 = arith.constant 0 : i32
    %c0_i32_1 = arith.constant 0 : i32
    return %c0_i32, %c0_i32_0 : i32, i32
  }
  func.func @transform_4(%arg0: i32) -> (i32, i32) {
    %c0_i32 = arith.constant 0 : i32
    %c0_i32_0 = arith.constant 0 : i32
    %c0_i32_1 = arith.constant 0 : i32
    return %c0_i32, %c0_i32_0 : i32, i32
  }
  func.func @transform_5(%arg0: i32) -> (i32, i32) {
    %c0_i32 = arith.constant 0 : i32
    %c0_i32_0 = arith.constant 0 : i32
    %c0_i32_1 = arith.constant 0 : i32
    return %c0_i32, %c0_i32_0 : i32, i32
  }
  func.func @transform_6(%arg0: i32) -> (i32, i32) {
    %c0_i32 = arith.constant 0 : i32
    %c0_i32_0 = arith.constant 0 : i32
    %c0_i32_1 = arith.constant 0 : i32
    return %c0_i32, %c0_i32_0 : i32, i32
  }
  func.func @transform_7(%arg0: i32) -> (i32, i32) {
    %c0_i32 = arith.constant 0 : i32
    %c0_i32_0 = arith.constant 0 : i32
    %c0_i32_1 = arith.constant 0 : i32
    return %c0_i32, %c0_i32_0 : i32, i32
  }
  func.func @transform_8(%arg0: i32) -> (i32, i32) {
    %c0_i32 = arith.constant 0 : i32
    %c0_i32_0 = arith.constant 0 : i32
    %c0_i32_1 = arith.constant 0 : i32
    return %c0_i32, %c0_i32_0 : i32, i32
  }
  func.func @transform_9(%arg0: i32) -> (i32, i32, i32) {
    %c0_i32 = arith.constant 0 : i32
    %c0_i32_0 = arith.constant 0 : i32
    %c0_i32_1 = arith.constant 0 : i32
    return %c0_i32, %arg0, %c0_i32_0 : i32, i32, i32
  }
}

module attributes {stable_mosaic.version = 14 : i64} {
  func.func @_head_body(%arg0: i32, %arg1: memref<2x512x128xf32, #tpu.memory_space<vmem>>, %arg2: memref<1x1x512xi32, #tpu.memory_space<vmem>>, %arg3: memref<256x256xf32, #tpu.memory_space<vmem>>, %arg4: memref<1x256xf32, #tpu.memory_space<vmem>>, %arg5: memref<256x128xf32, #tpu.memory_space<vmem>>, %arg6: memref<1x128xf32, #tpu.memory_space<vmem>>, %arg7: memref<64x128xf32, #tpu.memory_space<vmem>>, %arg8: memref<64x128xf32, #tpu.memory_space<vmem>>, %arg9: memref<64x128xf32, #tpu.memory_space<vmem>>, %arg10: memref<64x1xf32, #tpu.memory_space<vmem>>) attributes {dimension_semantics = [#tpu.dimension_semantics<arbitrary>], iteration_bounds = array<i64: 20>, scalar_prefetch = 0 : i64, scratch_operands = 3 : i64, tpu.core_type = #tpu.core_type<tc>, window_params = [{transform_indices = @transform_0, window_bounds = array<i64: 2, 512, 128>}, {transform_indices = @transform_1, window_bounds = array<i64: 1, 1, 512>}, {pipeline_mode = #tpu.pipeline_mode<synchronous>, transform_indices = @transform_2, window_bounds = array<i64: 256, 256>}, {pipeline_mode = #tpu.pipeline_mode<synchronous>, transform_indices = @transform_3, window_bounds = array<i64: 1, 256>}, {pipeline_mode = #tpu.pipeline_mode<synchronous>, transform_indices = @transform_4, window_bounds = array<i64: 256, 128>}, {pipeline_mode = #tpu.pipeline_mode<synchronous>, transform_indices = @transform_5, window_bounds = array<i64: 1, 128>}, {pipeline_mode = #tpu.pipeline_mode<synchronous>, transform_indices = @transform_6, window_bounds = array<i64: 64, 128>}]} {
    %eq3A = arith.constant 0 : i32
    %eq3A_0 = arith.cmpi eq, %arg0, %eq3A : i32
    %convert_element_type3A = arith.extui %eq3A_0 : i1 to i32
    %cond3A = arith.constant 0 : i32
    %cond3A_1 = arith.cmpi ne, %convert_element_type3A, %cond3A : i32
    scf.if %cond3A_1 {
      %broadcast_in_dim3A_49 = arith.constant 0.000000e+00 : f32
      %broadcast_in_dim3A_50 = vector.broadcast %broadcast_in_dim3A_49 : f32 to vector<64x128xf32>
      %swap3A_51 = arith.constant 0 : index
      %swap3A_52 = arith.constant 0 : index
      %swap3A_53 = vector.load %arg8[%swap3A_51, %swap3A_52] : memref<64x128xf32, #tpu.memory_space<vmem>>, vector<64x128xf32>
      tpu.vector_store %arg8[%swap3A_51, %swap3A_52], %broadcast_in_dim3A_50 {strides = array<i32>} : memref<64x128xf32, #tpu.memory_space<vmem>>, vector<64x128xf32>,
      %broadcast_in_dim3A_54 = arith.constant 0.000000e+00 : f32
      %broadcast_in_dim3A_55 = vector.broadcast %broadcast_in_dim3A_54 : f32 to vector<64x128xf32>
      %swap3A_56 = arith.constant 0 : index
      %swap3A_57 = arith.constant 0 : index
      %swap3A_58 = vector.load %arg9[%swap3A_56, %swap3A_57] : memref<64x128xf32, #tpu.memory_space<vmem>>, vector<64x128xf32>
      tpu.vector_store %arg9[%swap3A_56, %swap3A_57], %broadcast_in_dim3A_55 {strides = array<i32>} : memref<64x128xf32, #tpu.memory_space<vmem>>, vector<64x128xf32>,
      %broadcast_in_dim3A_59 = arith.constant 0.000000e+00 : f32
      %broadcast_in_dim3A_60 = vector.broadcast %broadcast_in_dim3A_59 : f32 to vector<64x1xf32>
      %swap3A_61 = arith.constant 0 : index
      %swap3A_62 = arith.constant 0 : index
      %swap3A_63 = vector.load %arg10[%swap3A_61, %swap3A_62] : memref<64x1xf32, #tpu.memory_space<vmem>>, vector<64x1xf32>
      tpu.vector_store %arg10[%swap3A_61, %swap3A_62], %broadcast_in_dim3A_60 {strides = array<i32>} : memref<64x1xf32, #tpu.memory_space<vmem>>, vector<64x1xf32>,
    } else {
    }
    %get3A = arith.constant 0 : index
    %get3A_2 = arith.constant 0 : index
    %get3A_3 = arith.constant 0 : index
    %get3A_4 = vector.load %arg2[%get3A, %get3A_2, %get3A_3] : memref<1x1x512xi32, #tpu.memory_space<vmem>>, vector<1x1x512xi32>
    %get3A_5 = vector.shape_cast %get3A_4 : vector<1x1x512xi32> to vector<1x512xi32>
    %iota3A = tpu.iota {dimensions = array<i32: 0>} : vector<64x512xi32>
    %broadcast_in_dim3A = vector.shape_cast %get3A_5 : vector<1x512xi32> to vector<1x512xi32>
    %broadcast_in_dim3A_6 = vector.broadcast %broadcast_in_dim3A : vector<1x512xi32> to vector<64x512xi32>
    %eq3A_7 = arith.cmpi eq, %iota3A, %broadcast_in_dim3A_6 : vector<64x512xi32>
    %convert_element_type3A_8 = arith.extui %eq3A_7 : vector<64x512xi1> to vector<64x512xi32>
    %convert_element_type3A_9 = arith.sitofp %convert_element_type3A_8 : vector<64x512xi32> to vector<64x512xf32>
    %get3A_10 = arith.constant 0 : index
    %get3A_11 = arith.constant 0 : index
    %get3A_12 = vector.load %arg8[%get3A_10, %get3A_11] : memref<64x128xf32, #tpu.memory_space<vmem>>, vector<64x128xf32>
    %get3A_13 = arith.constant 0 : index
    %get3A_14 = arith.constant 0 : index
    %get3A_15 = arith.constant 0 : index
    %get3A_16 = vector.load %arg1[%get3A_13, %get3A_14, %get3A_15] : memref<2x512x128xf32, #tpu.memory_space<vmem>>, vector<1x512x128xf32>
    %get3A_17 = vector.shape_cast %get3A_16 : vector<1x512x128xf32> to vector<512x128xf32>
    %dot_general3A = arith.constant dense<0.000000e+00> : vector<64x128xf32>
    %dot_general3A_18 = tpu.matmul %convert_element_type3A_9, %get3A_17, %dot_general3A {dimension_numbers = #tpu.dot_dimension_numbers<[1], [0], [0], [1], [0, 0, 1, 1], [], []>, transpose_lhs_hint = false} : vector<64x512xf32>, vector<512x128xf32>, vector<64x128xf32> -> vector<64x128xf32>
    %add3A = arith.addf %get3A_12, %dot_general3A_18 : vector<64x128xf32>
    %swap3A = arith.constant 0 : index
    %swap3A_19 = arith.constant 0 : index
    %swap3A_20 = vector.load %arg8[%swap3A, %swap3A_19] : memref<64x128xf32, #tpu.memory_space<vmem>>, vector<64x128xf32>
    tpu.vector_store %arg8[%swap3A, %swap3A_19], %add3A {strides = array<i32>} : memref<64x128xf32, #tpu.memory_space<vmem>>, vector<64x128xf32>,
    %get3A_21 = arith.constant 0 : index
    %get3A_22 = arith.constant 0 : index
    %get3A_23 = vector.load %arg9[%get3A_21, %get3A_22] : memref<64x128xf32, #tpu.memory_space<vmem>>, vector<64x128xf32>
    %get3A_24 = arith.constant 1 : index
    %get3A_25 = arith.constant 0 : index
    %get3A_26 = arith.constant 0 : index
    %get3A_27 = vector.load %arg1[%get3A_24, %get3A_25, %get3A_26] : memref<2x512x128xf32, #tpu.memory_space<vmem>>, vector<1x512x128xf32>
    %get3A_28 = vector.shape_cast %get3A_27 : vector<1x512x128xf32> to vector<512x128xf32>
    %dot_general3A_29 = arith.constant dense<0.000000e+00> : vector<64x128xf32>
    %dot_general3A_30 = tpu.matmul %convert_element_type3A_9, %get3A_28, %dot_general3A_29 {dimension_numbers = #tpu.dot_dimension_numbers<[1], [0], [0], [1], [0, 0, 1, 1], [], []>, transpose_lhs_hint = false} : vector<64x512xf32>, vector<512x128xf32>, vector<64x128xf32> -> vector<64x128xf32>
    %add3A_31 = arith.addf %get3A_23, %dot_general3A_30 : vector<64x128xf32>
    %swap3A_32 = arith.constant 0 : index
    %swap3A_33 = arith.constant 0 : index
    %swap3A_34 = vector.load %arg9[%swap3A_32, %swap3A_33] : memref<64x128xf32, #tpu.memory_space<vmem>>, vector<64x128xf32>
    tpu.vector_store %arg9[%swap3A_32, %swap3A_33], %add3A_31 {strides = array<i32>} : memref<64x128xf32, #tpu.memory_space<vmem>>, vector<64x128xf32>,
    %get3A_35 = arith.constant 0 : index
    %get3A_36 = arith.constant 0 : index
    %get3A_37 = vector.load %arg10[%get3A_35, %get3A_36] : memref<64x1xf32, #tpu.memory_space<vmem>>, vector<64x1xf32>
    %reduce_sum3A = arith.constant dense<0.000000e+00> : vector<64xf32>
    %reduce_sum3A_38 = vector.multi_reduction <add>, %convert_element_type3A_9, %reduce_sum3A [1] : vector<64x512xf32> to vector<64xf32>
    %broadcast_in_dim3A_39 = vector.shape_cast %reduce_sum3A_38 : vector<64xf32> to vector<64x1xf32>
    %add3A_40 = arith.addf %get3A_37, %broadcast_in_dim3A_39 : vector<64x1xf32>
    %swap3A_41 = arith.constant 0 : index
    %swap3A_42 = arith.constant 0 : index
    %swap3A_43 = vector.load %arg10[%swap3A_41, %swap3A_42] : memref<64x1xf32, #tpu.memory_space<vmem>>, vector<64x1xf32>
    tpu.vector_store %arg10[%swap3A_41, %swap3A_42], %add3A_40 {strides = array<i32>} : memref<64x1xf32, #tpu.memory_space<vmem>>, vector<64x1xf32>,
    %eq3A_44 = arith.constant 19 : i32
    %eq3A_45 = arith.cmpi eq, %arg0, %eq3A_44 : i32
    %convert_element_type3A_46 = arith.extui %eq3A_45 : i1 to i32
    %cond3A_47 = arith.constant 0 : i32
    %cond3A_48 = arith.cmpi ne, %convert_element_type3A_46, %cond3A_47 : i32
    scf.if %cond3A_48 {
      %get3A_49 = arith.constant 0 : index
      %get3A_50 = arith.constant 0 : index
      %get3A_51 = vector.load %arg10[%get3A_49, %get3A_50] : memref<64x1xf32, #tpu.memory_space<vmem>>, vector<64x1xf32>
      %max3A = arith.constant 1.000000e+00 : f32
      %max3A_52 = vector.broadcast %max3A : f32 to vector<64x1xf32>
      %max3A_53 = arith.maximumf %get3A_51, %max3A_52 : vector<64x1xf32>
      %get3A_54 = arith.constant 0 : index
      %get3A_55 = arith.constant 0 : index
      %get3A_56 = vector.load %arg8[%get3A_54, %get3A_55] : memref<64x128xf32, #tpu.memory_space<vmem>>, vector<64x128xf32>
      %div3A = vector.broadcast %max3A_53 : vector<64x1xf32> to vector<64x128xf32>
      %div3A_57 = arith.divf %get3A_56, %div3A : vector<64x128xf32>
      %get3A_58 = arith.constant 0 : index
      %get3A_59 = arith.constant 0 : index
      %get3A_60 = vector.load %arg9[%get3A_58, %get3A_59] : memref<64x128xf32, #tpu.memory_space<vmem>>, vector<64x128xf32>
      %div3A_61 = vector.broadcast %max3A_53 : vector<64x1xf32> to vector<64x128xf32>
      %div3A_62 = arith.divf %get3A_60, %div3A_61 : vector<64x128xf32>
      %concatenate3A = tpu.concatenate %div3A_57, %div3A_62 in 1 : vector<64x128xf32>, vector<64x128xf32> -> vector<64x256xf32>
      %get3A_63 = arith.constant 0 : index
      %get3A_64 = arith.constant 0 : index
      %get3A_65 = vector.load %arg3[%get3A_63, %get3A_64] : memref<256x256xf32, #tpu.memory_space<vmem>>, vector<256x256xf32>
      %dot_general3A_66 = arith.constant dense<0.000000e+00> : vector<64x256xf32>
      %dot_general3A_67 = tpu.matmul %concatenate3A, %get3A_65, %dot_general3A_66 {dimension_numbers = #tpu.dot_dimension_numbers<[1], [0], [0], [1], [0, 0, 1, 1], [], []>, transpose_lhs_hint = false} : vector<64x256xf32>, vector<256x256xf32>, vector<64x256xf32> -> vector<64x256xf32>
      %get3A_68 = arith.constant 0 : index
      %get3A_69 = arith.constant 0 : index
      %get3A_70 = vector.load %arg4[%get3A_68, %get3A_69] : memref<1x256xf32, #tpu.memory_space<vmem>>, vector<1x256xf32>
      %add3A_71 = vector.broadcast %get3A_70 : vector<1x256xf32> to vector<64x256xf32>
      %add3A_72 = arith.addf %dot_general3A_67, %add3A_71 : vector<64x256xf32>
      %max3A_73 = arith.constant 0.000000e+00 : f32
      %max3A_74 = vector.broadcast %max3A_73 : f32 to vector<64x256xf32>
      %max3A_75 = arith.maximumf %add3A_72, %max3A_74 : vector<64x256xf32>
      %get3A_76 = arith.constant 0 : index
      %get3A_77 = arith.constant 0 : index
      %get3A_78 = vector.load %arg5[%get3A_76, %get3A_77] : memref<256x128xf32, #tpu.memory_space<vmem>>, vector<256x128xf32>
      %dot_general3A_79 = arith.constant dense<0.000000e+00> : vector<64x128xf32>
      %dot_general3A_80 = tpu.matmul %max3A_75, %get3A_78, %dot_general3A_79 {dimension_numbers = #tpu.dot_dimension_numbers<[1], [0], [0], [1], [0, 0, 1, 1], [], []>, transpose_lhs_hint = false} : vector<64x256xf32>, vector<256x128xf32>, vector<64x128xf32> -> vector<64x128xf32>
      %get3A_81 = arith.constant 0 : index
      %get3A_82 = arith.constant 0 : index
      %get3A_83 = vector.load %arg6[%get3A_81, %get3A_82] : memref<1x128xf32, #tpu.memory_space<vmem>>, vector<1x128xf32>
      %add3A_84 = vector.broadcast %get3A_83 : vector<1x128xf32> to vector<64x128xf32>
      %add3A_85 = arith.addf %dot_general3A_80, %add3A_84 : vector<64x128xf32>
      %reduce_max3A = arith.constant dense<0xFF800000> : vector<64xf32>
      %reduce_max3A_86 = vector.multi_reduction <maximumf>, %add3A_85, %reduce_max3A [1] : vector<64x128xf32> to vector<64xf32>
      %broadcast_in_dim3A_87 = vector.shape_cast %reduce_max3A_86 : vector<64xf32> to vector<64x1xf32>
      %sub3A = vector.broadcast %broadcast_in_dim3A_87 : vector<64x1xf32> to vector<64x128xf32>
      %sub3A_88 = arith.subf %add3A_85, %sub3A : vector<64x128xf32>
      %exp3A = math.exp %sub3A_88 : vector<64x128xf32>
      %reduce_sum3A_89 = arith.constant dense<0.000000e+00> : vector<64xf32>
      %reduce_sum3A_90 = vector.multi_reduction <add>, %exp3A, %reduce_sum3A_89 [1] : vector<64x128xf32> to vector<64xf32>
      %broadcast_in_dim3A_91 = vector.shape_cast %reduce_sum3A_90 : vector<64xf32> to vector<64x1xf32>
      %log3A = math.log %broadcast_in_dim3A_91 : vector<64x1xf32>
      %add3A_92 = arith.addf %log3A, %broadcast_in_dim3A_87 : vector<64x1xf32>
      %sub3A_93 = vector.broadcast %add3A_92 : vector<64x1xf32> to vector<64x128xf32>
      %sub3A_94 = arith.subf %add3A_85, %sub3A_93 : vector<64x128xf32>
      %swap3A_95 = arith.constant 0 : index
      %swap3A_96 = arith.constant 0 : index
      %swap3A_97 = vector.load %arg7[%swap3A_95, %swap3A_96] : memref<64x128xf32, #tpu.memory_space<vmem>>, vector<64x128xf32>
      tpu.vector_store %arg7[%swap3A_95, %swap3A_96], %sub3A_94 {strides = array<i32>} : memref<64x128xf32, #tpu.memory_space<vmem>>, vector<64x128xf32>,
    } else {
    }
    return
  }
  func.func @transform_0(%arg0: i32) -> (i32, i32, i32) {
    %c0_i32 = arith.constant 0 : i32
    %c0_i32_0 = arith.constant 0 : i32
    %c0_i32_1 = arith.constant 0 : i32
    return %c0_i32, %arg0, %c0_i32_0 : i32, i32, i32
  }
  func.func @transform_1(%arg0: i32) -> (i32, i32, i32) {
    %c0_i32 = arith.constant 0 : i32
    %c0_i32_0 = arith.constant 0 : i32
    %c0_i32_1 = arith.constant 0 : i32
    return %arg0, %c0_i32, %c0_i32_0 : i32, i32, i32
  }
  func.func @transform_2(%arg0: i32) -> (i32, i32) {
    %c0_i32 = arith.constant 0 : i32
    %c0_i32_0 = arith.constant 0 : i32
    %c0_i32_1 = arith.constant 0 : i32
    return %c0_i32, %c0_i32_0 : i32, i32
  }
  func.func @transform_3(%arg0: i32) -> (i32, i32) {
    %c0_i32 = arith.constant 0 : i32
    %c0_i32_0 = arith.constant 0 : i32
    %c0_i32_1 = arith.constant 0 : i32
    return %c0_i32, %c0_i32_0 : i32, i32
  }
  func.func @transform_4(%arg0: i32) -> (i32, i32) {
    %c0_i32 = arith.constant 0 : i32
    %c0_i32_0 = arith.constant 0 : i32
    %c0_i32_1 = arith.constant 0 : i32
    return %c0_i32, %c0_i32_0 : i32, i32
  }
  func.func @transform_5(%arg0: i32) -> (i32, i32) {
    %c0_i32 = arith.constant 0 : i32
    %c0_i32_0 = arith.constant 0 : i32
    %c0_i32_1 = arith.constant 0 : i32
    return %c0_i32, %c0_i32_0 : i32, i32
  }
  func.func @transform_6(%arg0: i32) -> (i32, i32) {
    %c0_i32 = arith.constant 0 : i32
    %c0_i32_0 = arith.constant 0 : i32
    %c0_i32_1 = arith.constant 0 : i32
    return %c0_i32, %c0_i32_0 : i32, i32
  }
}

</mosaic_0001>

<sc_bundles>
// kernel: kernel.12.cloned.1.call-start
scs
__scs_entry_jumppad:
0x0: {  	(pc) =	sbr.rel $0x88, $3  }
0x1: {  	(tag) =	ssettag $0x0;
	lr =	simm.s32 $0x1  }
0x2: {  	[smem:$0x3F85] =	sst lr;
	_ =	strace $0xD0000000  }
0x3: {  	_ = 	snop  }
0x4: {  	_ = 	snop  }
0x5: {  	_ = 	snop  }
0x6: {  	_ = 	snop  }
0x7: {  	_ = 	snop  }
__scs_overlays_trampoline_lowered:
0x8: {  	[smem:$0x3F94] =	sst s0  }
0x9: {  	[smem:$0x3F95] =	sst s1  }
0xa: {  	[smem:$0x3F96] =	sst s2  }
0xb: {  	[smem:$0x3F97] =	sst s3  }
0xc: {  	[smem:$0x3F98] =	sst s4  }
0xd: {  	[smem:$0x3F99] =	sst s5  }
0xe: {  	[smem:$0x3F9A] =	sst s6  }
0xf: {  	[smem:$0x3F9B] =	sst s7  }
0x10: {  	[smem:$0x3F9C] =	sst s8  }
0x11: {  	[smem:$0x3F9D] =	sst s9;
	s0 =	simm.s32 @!p0 $0x0  }
0x12: {  	s1 =	sld [smem:$0x3F83];
	s0 =	simm.s32 @p0 $0x1  }
0x13: {  	[smem:$0x3F9E] =	sst s0;
	s0 =	simm.s32 @!p1 $0x0  }
0x14: {  	s2 =	sld [smem:$0x3F82];
	s0 =	simm.s32 @p1 $0x1  }
0x15: {  	[smem:$0x3F9F] =	sst s0;
	s0 =	simm.s32 @!p2 $0x0  }
0x16: {  	s3 =	sld [smem:$0x3FDB];
	s0 =	simm.s32 @p2 $0x1  }
0x17: {  	s4 =	simm.s32 $0x1BF5;
	[smem:$0x3FA1] =	sst s0  }
0x18: {  	s0 =	sld [smem:$0x3F84];
	_ =	swait.ge [sflag:s4], $0x0  }
0x19: {  	s7 =	sld [smem:$0x3F85]  }
0x1a: {  	s8 =	sadd.s32 $0xFFFFE003, lr  }
0x1b: {  	s9 =	sadd.s32 $0xFFFFFEF7, lr;
	s5 =	simm.s32 $0xFFFFFFFF;
	p2 =	slt.u32 s8, $0xFFFFF086  }
0x1c: {  	p1 =	slt.u32 s9, $0xF7A;
	s5 =	simm.s32 @!p2 $0x0  }
0x1d: {  	s5 =	simm.s32 @p1 $0x1;
	p0 =	seq.s32 s7, s2  }
0x1e: {  	s7 =	smul.u32 @!p0 $0xF7A, s2;
	p2 =	seq.s32 @!p0 s5, $0x0  }
0x1f: {  	s9 =	smul.u32 $0xF7A, s1;
	s8 =	simm.s32 @!p0 $0x1BF5;
	p2 =	por !p2, p0  }
0x20: {  	[sflag:s8] =	ssyncset.s32 @!p0 $0xFFFFF086;
	s6 =	sadd.s32 @!p0 s3, s7;
	s7 =	simm.s32 @!p0 $0x108  }
0x21: {  	s3 =	sadd.s32 s3, s9;
	s6 =	sadd.s32 @!p0 $0x88, s6;
	s7 =	simm.s32 @p2 $0x1082  }
0x22: {  	[simem:s7], [sflag:s8] =	dma.local @!p0 [hbm:s6], $0xF7A  }
0x23: {  	s9 =	sor.u32 $0xD0000000, s2;
	s6 =	simm.s32 $0x108;
	_ =	swait.ge @!p0 [sflag:s8], $0x0  }
0x24: {  	s3 =	sadd.s32 $0x88, s3;
	s6 =	simm.s32 @!p1 $0x1082;
	[sflag:s4] =	ssyncset.s32 $0xFFFFF086  }
0x25: {  	[simem:s6], [sflag:s4] =	dma.local [hbm:s3], $0xF7A  }
0x26: {  	[smem:$0x3F85] =	sst s1;
	(tag) =	ssettag s2;
	_ =	strace s9  }
0x27: {  	s1 =	sld [smem:$0x3F95]  }
0x28: {  	s2 =	sld [smem:$0x3F96]  }
0x29: {  	s4 =	sld [smem:$0x3F98]  }
0x2a: {  	p0 =	seq.s32 s5, $0x0;
	s5 =	sld [smem:$0x3F99]  }
0x2b: {  	s6 =	sld [smem:$0x3F9A]  }
0x2c: {  	s7 =	sld [smem:$0x3F9B]  }
0x2d: {  	s3 =	simm.s32 $0x108;
	s8 =	sld [smem:$0x3F9C]  }
0x2e: {  	s3 =	simm.s32 @!p0 $0x1082;
	s9 =	sld [smem:$0x3F9D]  }
0x2f: {  	lr =	sadd.s32 s0, s3;
	s0 =	sld [smem:$0x3F94]  }
0x30: {  	s3 =	sld [smem:$0x3F97]  }
0x31: {  	[smem:$0x3FA0] =	sst s10  }
0x32: {  	s10 =	sld [smem:$0x3F9E];
	_ =	sdelay $0x3  }
0x33: {  	p0 =	seq.s32 s10, $0x1;
	s10 =	sld [smem:$0x3FA0];
	_ =	sdelay $0x3  }
0x34: {  	[smem:$0x3FA0] =	sst s10  }
0x35: {  	s10 =	sld [smem:$0x3F9F];
	_ =	sdelay $0x3  }
0x36: {  	p1 =	seq.s32 s10, $0x1;
	s10 =	sld [smem:$0x3FA0];
	_ =	sdelay $0x3  }
0x37: {  	[smem:$0x3FA0] =	sst s10  }
0x38: {  	s10 =	sld [smem:$0x3FA1]  }
0x39: {  	_ = 	snop;
	(pc) =	sbr.ind lr, $3  }
0x3a: {  	_ = 	snop  }
0x3b: {  	_ = 	snop  }
0x3c: {  	p2 =	seq.s32 s10, $0x1;
	s10 =	sld [smem:$0x3FA0]  }
0x3d: {  	_ =	shalt  }
0x3e: {  	_ =	shalt  }
0x3f: {  	_ =	shalt  }
0x40: {  	_ =	shalt  }
0x41: {  	_ =	shalt  }
0x42: {  	_ =	shalt  }
0x43: {  	_ =	shalt  }
0x44: {  	_ =	shalt  }
0x45: {  	_ =	shalt  }
0x46: {  	_ =	shalt  }
0x47: {  	_ =	shalt  }
0x48: {  	_ =	shalt  }
0x49: {  	_ =	shalt  }
0x4a: {  	_ =	shalt  }
0x4b: {  	_ =	shalt  }
0x4c: {  	_ =	shalt  }
0x4d: {  	_ =	shalt  }
0x4e: {  	_ =	shalt  }
0x4f: {  	_ =	shalt  }
0x50: {  	_ =	shalt  }
0x51: {  	_ =	shalt  }
0x52: {  	_ =	shalt  }
0x53: {  	_ =	shalt  }
0x54: {  	_ =	shalt  }
0x55: {  	_ =	shalt  }
0x56: {  	_ =	shalt  }
0x57: {  	_ =	shalt  }
0x58: {  	_ =	shalt  }
0x59: {  	_ =	shalt  }
0x5a: {  	_ =	shalt  }
0x5b: {  	_ =	shalt  }
0x5c: {  	_ =	shalt  }
0x5d: {  	_ =	shalt  }
0x5e: {  	_ =	shalt  }
0x5f: {  	_ =	shalt  }
0x60: {  	_ =	shalt  }
0x61: {  	_ =	shalt  }
0x62: {  	_ =	shalt  }
0x63: {  	_ =	shalt  }
0x64: {  	_ =	shalt  }
0x65: {  	_ =	shalt  }
0x66: {  	_ =	shalt  }
0x67: {  	_ =	shalt  }
0x68: {  	_ =	shalt  }
0x69: {  	_ =	shalt  }
0x6a: {  	_ =	shalt  }
0x6b: {  	_ =	shalt  }
0x6c: {  	_ =	shalt  }
0x6d: {  	_ =	shalt  }
0x6e: {  	_ =	shalt  }
0x6f: {  	_ =	shalt  }
0x70: {  	_ =	shalt  }
0x71: {  	_ =	shalt  }
0x72: {  	_ =	shalt  }
0x73: {  	_ =	shalt  }
0x74: {  	_ =	shalt  }
0x75: {  	_ =	shalt  }
0x76: {  	_ =	shalt  }
0x77: {  	_ =	shalt  }
0x78: {  	_ =	shalt  }
0x79: {  	_ =	shalt  }
0x7a: {  	_ =	shalt  }
0x7b: {  	_ =	shalt  }
0x7c: {  	_ =	shalt  }
0x7d: {  	_ =	shalt  }
0x7e: {  	_ =	shalt  }
0x7f: {  	_ =	shalt  }
0x80: {  	_ =	shalt  }
0x81: {  	_ =	shalt  }
0x82: {  	_ =	shalt  }
0x83: {  	_ =	shalt  }
0x84: {  	_ =	shalt  }
0x85: {  	_ =	shalt  }
0x86: {  	_ =	shalt  }
0x87: {  	_ =	shalt  }
.Lfunc_end0:
.L_simem_size_0:
called_computation.1_lowered:
.L_overlay_start_0:
0x88: {  	s2 =	sld [smem:$0x3FD9]  }
0x89: {  	s3 =	sld [smem:$0x3FFE];
	_ =	sdelay $0x1  }
0x8a: {  	s1 =	srdreg.scid  }
0x8b: {  	s0 =	sand.u32 $0x1, s1  }
0x8c: {  	s16 =	sshll.u32 s0, $0xA;
	s2 =	sadd.s32 s3, s2  }
0x8d: {  	s2 =	sadd.s32 s2, s16  }
0x8e: {  	[smem:$0x3FAC] =	sst s2  }
0x8f: {  	_ = 	snop  }
0x90: {  	(tm) =	ssettm $0x1  }
0x91: {  	s17 =	sld [smem:$0x3FFB];
	_ =	sdelay $0x3  }
0x92: {  	_ =	strace s17  }
0x93: {  	s2 =	sld [smem:$0x3FFC];
	_ =	sdelay $0x3  }
0x94: {  	_ =	strace s2  }
0x95: {  	s2 =	sld [smem:$0x3FFD];
	_ =	sdelay $0x3  }
0x96: {  	_ =	strace s2  }
0x97: {  	_ =	strace $0x8FFFFFFF  }
0x98: {  	s18 =	sld [smem:$0x3FDB];
	_ =	sdelay $0x1  }
0x99: {  	s19 =	simm.s32 $_scs_section_size  }
0x9a: {  	s4 =	simm.s32 $_size__tile_overlayer_lowered;
	s5 =	simm.s32 $_tile_overlayer_lowered  }
0x9b: {  	s22 =	simm.s32 $0x1BFF;
	s21 =	sshll.u32 s5, $0x1;
	s2 =	sadd.s32 s19, s18  }
0x9c: {  	s6 =	simm.s32 $0x0;
	s20 =	sshll.u32 s4, $0x1;
	s4 =	sadd.s32 s21, s2  }
0x9d: {  	[timem:s6], [sflag:s22] =	dma.local [hbm:s4], s20  }
0x9e: {  	_ =	swait.ge [sflag:s22], s20  }
0x9f: {  	s3 =	ssub.s32 $0x0, s20;
	[sflag:s22] =	ssyncset.done $0x0  }
0xa0: {  	[sflag:s22] =	ssyncadd.s32 s3;
	_ =	sdelay $0x1  }
0xa1: {  	s23 =	simm.s32 $0x1B8B  }
0xa2: {  	_ =	swait.ge [sflag:s23], $0x1  }
0xa3: {  	[sflag:s23] =	ssyncset.done $0x0  }
0xa4: {  	s25 =	simm.s32 $0x1B8E;
	s24 =	sld [smem:$0x3FFE];
	[sflag:s23] =	ssyncadd.s32 $0xFFFFFFFF  }
0xa5: {  	s26 =	simm.s32 $execute0_lowered;
	[smem:$0x3FD2] =	sst s25  }
0xa6: {  	s4 =	sshll.u32 s26, $0x1;
	_ =	strace $0x80000049;
	[dreg:$0x1] =	wrdreg $0xFFFFFFFF  }
0xa7: {  	s28 =	simm.s32 $_size_execute0_lowered;
	s2 =	sadd.s32 s2, s4;
	[dreg:$0x0] =	wrdreg $0x0  }
0xa8: {  	s4 =	sshll.u32 s28, $0x1;
	[dreg:$0x2] =	wrdreg s2  }
0xa9: {  	[dreg:$0x3] =	wrdreg s4  }
0xaa: {  	[dreg:$0x4] =	wrdreg $0xC0  }
0xab: {  	_ =	task [dreg:s6], $0x5FFFF  }
0xac: {  	[dreg:$0x1] =	wrdreg $0xFFFFFFFF  }
0xad: {  	[dreg:$0x0] =	wrdreg $0x60  }
0xae: {  	[dreg:$0x2] =	wrdreg s24  }
0xaf: {  	[dreg:$0x3] =	wrdreg $0x41000  }
0xb0: {  	[dreg:$0x4] =	wrdreg $0x9  }
0xb1: {  	_ =	task.clear_ibuf [dreg:s6], $0x5FFFF;
	_ =	strace $0x90000049  }
0xb2: {  	s29 =	simm.s32 $0x9;
	_ =	strace $0x8000004B  }
0xb3: {  	_ =	swait.ge [sflag:s29], $0x1  }
0xb4: {  	[sflag:s29] =	ssyncadd.s32 $0xFFFFFFFF  }
0xb5: {  	_ =	strace $0x9000004B  }
0xb6: {  	_ =	sfence  }
0xb7: {  	s30 =	sld [smem:$0x0];
	_ =	sdelay $0x2  }
0xb8: {  	s31 =	sshll.u32 s1, $0xD;
	s1 =	sshrl.u32 s1, $0x2  }
0xb9: {  	s3 =	sand.u32 $0x4000, s31;
	s1 =	sadd.s32 s1, s30  }
0xba: {  	s0 =	sor.u32 s3, s0;
	s1 =	sshll.u32 s1, $0x11  }
0xbb: {  	s0 =	sor.u32 s1, s0  }
0xbc: {  	s0 =	sadd.s32 $0x8F2B, s0  }
0xbd: {  	[sflag:s0] =	ssyncadd.remote.s32 $0x1  }
0xbe: {  	_ =	sfence.sel $0xFFFF  }
0xbf: {  	[dreg:$0x0] =	wrdreg $0xFFFFFFFF;
	(pc) =	sbr.abs _section_cstart, $3  }
0xc0: {  	[dreg:$0x1] =	wrdreg $0xFFFFFFFF  }
0xc1: {  	_ =	task.clear_ibuf [dreg:s6], $0x2FFFF;
	_ =	strace $0x9FFFFFFF  }
0xc2: {  	(tm) =	ssettm $0x7FFFFFFF  }
0xc3: {  	_ =	shalt  }
tec
execute0_lowered:
.L_overlay_start_1:
0x0: {  	(tag) =	ssettag $0x1  }
0x1: {  	s6 =	rddreg [dreg:$0x0]  }
0x2: {  	s0 =	srdreg.scid;
	s2 =	rddreg [dreg:$0x1]  }
0x3: {  	s1 =	rddreg [dreg:$0x2];
	s7 =	sand.u32 $0x1, s0  }
0x4: {  	s3 =	simm.s32 $0x0;
	s0 =	stileid.u32;
	s4 =	smul.u32 $0x9D000, s7  }
0x5: {  	s13 =	simm.s32 $0x100;
	s14 =	simm.s32 $0x1;
	s5 =	smul.u32 $0x9D00, s0  }
0x6: {  	s15 =	simm.s32 $0x0;
	[smem:$0x7FF] =	sst s3;
	s8 =	smul.u32 $0x140000, s7  }
0x7: {  	s9 =	smul.u32 $0x14000, s0;
	_ =	strace $0x8000004A;
	s31 =	ssub.s32 $0x2, s7  }
0x8: {  	s10 =	smul.u32 $0x50000, s0;
	s11 =	sshll.u32 s0, $0x6;
	s7 =	sshrl.u32 s31, $0x1  }
0x9: {  	s5 =	sadd.s32 s5, s4;
	s4 =	sadd.s32 $0x42800, s6;
	s8 =	sadd.s32 s9, s8  }
0xa: {  	s10 =	sshrl.u32 s10, $0x2;
	s12 =	ssub.s32 s31, s7;
	s5 =	sshrl.u32 s5, $0x3  }
0xb: {  	s8 =	sshrl.u32 s8, $0x3;
	s10 =	sadd.s32 s10, s2;
	s30 =	sadd.s32 s5, s6  }
0xc: {  	s5 =	sadd.s32 $0x40000, s6;
	s8 =	sadd.s32 s8, s6;
	s6 =	sor.u32 $0x1C02, s11  }
0xd: {  	s10 =	sshrl.u32 s10, $0x3;
	s11 =	simm.s32 $0x2;
	s7 =	sadd.s32 $0x92800, s8  }
0xe: {  	s8 =	smax.u32 s12, $0x1;
	s9 =	sadd.s32 $0xE2800, s30;
	s12 =	simm.s32 $0x80  }
.LBB2_1:
0xf: {  	[spmem:s10], [sflag:s6] =	dma.local [hbm:s5], $0x2800  }
0x10: {  	_ =	swait.ge [sflag:s11], $0x2800  }
0x11: {  	[sflag:s11] =	ssyncset.done $0x0  }
0x12: {  	[sflag:s11] =	ssyncadd.s32 $0xFFFFD800  }
0x13: {  	s16 =	sadd.s32 $0x0, s9;
	[bflag:$0x0] =	sbarrier.arrive $0xFFFF  }
0x14: {  	[tilespmem:s3], [sflag:$0x2] =	stream.linear.gather [hbm4b:s16+s3], $0x100, $0x38;
	[tilespmem:$0x18100] =	vst v63  }
0x15: {  	_ =	swait.ge [sflag:s11], $0x100  }
0x16: {  	[sflag:s11] =	ssyncset.done $0x0  }
0x17: {  	[sflag:s11] =	ssyncadd.s32 $0xFFFFFF00  }
0x18: {  	[tilespmem:s13], [sflag:$0x1] =	stream.indirect.gather [hbm4b:s4+s12], $0x80, s3, s12, $0xb8;
	[tilespmem:$0x18100] =	vst v63  }
0x19: {  	_ =	swait.ge [sflag:s14], $0x4000  }
0x1a: {  	[sflag:s14] =	ssyncset.done $0x0  }
0x1b: {  	[sflag:s14] =	ssyncadd.s32 $0xFFFFC000  }
0x1c: {  	[spmem:s2] =	stream.indirect.scatter.add.f32 [tilespmem:s13], [sflag:$0x2], $0x80, s12, s12, $0xb8;
	[tilespmem:$0x18100] =	vst v63  }
0x1d: {  	_ =	swait.ge [sflag:s11], $0x4000  }
0x1e: {  	s17 =	simm.s32 $0x40;
	s16 =	simm.s32 $0x20;
	[sflag:s11] =	ssyncset.done $0x0  }
.LBB2_2:
0x1f: {  	s18 =	sadd.s32 s16, s9  }
0x20: {  	[sflag:s11] =	ssyncadd.s32 $0xFFFFC000;
	s16 =	smov.u32 s17;
	s19 =	sadd.s32 $0x20, s17  }
0x21: {  	[tilespmem:s3], [sflag:$0x2] =	stream.linear.gather [hbm4b:s18+s3], $0x100, $0x38;
	[tilespmem:$0x18100] =	vst v63  }
0x22: {  	p0 =	sne.s32 s17, $0x1380;
	_ =	swait.ge [sflag:s11], $0x100  }
0x23: {  	[sflag:s11] =	ssyncset.done $0x0  }
0x24: {  	[sflag:s11] =	ssyncadd.s32 $0xFFFFFF00  }
0x25: {  	[tilespmem:s13], [sflag:$0x1] =	stream.indirect.gather [hbm4b:s4+s12], $0x80, s3, s12, $0xb8;
	[tilespmem:$0x18100] =	vst v63  }
0x26: {  	_ =	swait.ge [sflag:s14], $0x4000  }
.Ltmp0:
0x27: {  	[sflag:s14] =	ssyncset.done $0x0;
	(pc) =	sbr.rel @p0 .LBB2_2-.Ltmp0, $4  }
0x28: {  	[sflag:s14] =	ssyncadd.s32 $0xFFFFC000  }
0x29: {  	[spmem:s2] =	stream.indirect.scatter.add.f32 [tilespmem:s13], [sflag:$0x2], $0x80, s12, s12, $0xb8;
	[tilespmem:$0x18100] =	vst v63  }
0x2a: {  	_ =	swait.ge [sflag:s11], $0x4000  }
0x2b: {  	s17 =	smov.u32 s19;
	[sflag:s11] =	ssyncset.done $0x0  }
0x2c: {  	s16 =	sadd.s32 s16, s9;
	[sflag:s11] =	ssyncadd.s32 $0xFFFFC000  }
0x2d: {  	[tilespmem:s3], [sflag:$0x2] =	stream.linear.gather [hbm4b:s16+s3], $0x100, $0x38;
	[tilespmem:$0x18100] =	vst v63  }
0x2e: {  	_ =	swait.ge [sflag:s11], $0x100  }
0x2f: {  	[sflag:s11] =	ssyncset.done $0x0  }
0x30: {  	[sflag:s11] =	ssyncadd.s32 $0xFFFFFF00  }
0x31: {  	[tilespmem:s13], [sflag:$0x1] =	stream.indirect.gather [hbm4b:s4+s12], $0x80, s3, s12, $0xb8;
	[tilespmem:$0x18100] =	vst v63  }
0x32: {  	_ =	swait.ge [sflag:s14], $0x4000  }
0x33: {  	[sflag:s14] =	ssyncset.done $0x0  }
0x34: {  	[sflag:s14] =	ssyncadd.s32 $0xFFFFC000  }
0x35: {  	[spmem:s2] =	stream.indirect.scatter.add.f32 [tilespmem:s13], [sflag:$0x2], $0x80, s12, s12, $0xb8;
	[tilespmem:$0x18100] =	vst v63  }
0x36: {  	_ =	swait.ge [sflag:s11], $0x4000  }
0x37: {  	s15 =	sadd.s32 $0x1, s15;
	[sflag:s11] =	ssyncset.done $0x0  }
0x38: {  	p0 =	sne.s32 s15, s8;
	[sflag:s11] =	ssyncadd.s32 $0xFFFFC000  }
.Ltmp1:
0x39: {  	[bflag:$0x0] =	sbarrier.arrive $0xFFFF;
	(pc) =	sbr.rel @p0 .LBB2_1-.Ltmp1, $4  }
0x3a: {  	[hbm:s7], [sflag:s6] =	dma.local [spmem:s10], $0x2800  }
0x3b: {  	_ =	swait.ge [sflag:s11], $0x2800  }
0x3c: {  	[sflag:s11] =	ssyncset.done $0x0  }
0x3d: {  	[sflag:s11] =	ssyncadd.s32 $0xFFFFD800  }
0x3e: {  	_ =	sfence.sel $0x180000  }
0x3f: {  	[bflag:$0x0] =	sbarrier.arrive $0xFFFF  }
0x40: {  	p0 =	sne.s32 s0, $0x0;
	_ =	strace $0x9000004A  }
0x41: {  	s0 =	sadd.s32 @!p0 $0x100000, s1;
	[bflag:$0x2] =	sbarrier.arrive $0xFFFF  }
0x42: {  	[sflag:s0] =	ssyncadd.tile.s32 @!p0 $0x1;
	_ =	shalt  }
.Lfunc_end2:
_tile_overlayer_lowered:
.L_overlay_start_2:
0x43: {  	(tag) =	ssettag $0x2  }
0x44: {  	s0 =	rddreg [dreg:$0x0];
	s2 =	stileid.u32  }
0x45: {  	s1 =	rddreg [dreg:$0x1];
	p0 =	sne.s32 s2, $0x0  }
0x46: {  	s3 =	rddreg [dreg:$0x2];
	[bflag:$0x3] =	sbarrier.arrive $0xFFFF;
	s2 =	simm.s32 @!p0 $0x1C02  }
0x47: {  	[timem:s3], [sflag:s2] =	dma.local @!p0 [hbm:s0], s1  }
0x48: {  	s0 =	simm.s32 @!p0 $0x2  }
0x49: {  	_ =	swait.ge @!p0 [sflag:s0], s1  }
0x4a: {  	s1 =	ssub.s32 @!p0 $0x0, s1;
	[sflag:s0] =	ssyncset.done @!p0 $0x0  }
0x4b: {  	[sflag:s0] =	ssyncadd.s32 @!p0 s1  }
0x4c: {  	[bflag:$0x3] =	sbarrier.arrive $0xFFFF  }
0x4d: {  	_ =	shalt  }

// kernel: kernel.15.cloned.1.call-start
scs
__scs_entry_jumppad:
0x0: {  	(pc) =	sbr.rel $0x88, $3  }
0x1: {  	(tag) =	ssettag $0x0;
	lr =	simm.s32 $0x1  }
0x2: {  	[smem:$0x3F85] =	sst lr;
	_ =	strace $0xD0000000  }
0x3: {  	_ = 	snop  }
0x4: {  	_ = 	snop  }
0x5: {  	_ = 	snop  }
0x6: {  	_ = 	snop  }
0x7: {  	_ = 	snop  }
__scs_overlays_trampoline_lowered:
0x8: {  	[smem:$0x3F94] =	sst s0  }
0x9: {  	[smem:$0x3F95] =	sst s1  }
0xa: {  	[smem:$0x3F96] =	sst s2  }
0xb: {  	[smem:$0x3F97] =	sst s3  }
0xc: {  	[smem:$0x3F98] =	sst s4  }
0xd: {  	[smem:$0x3F99] =	sst s5  }
0xe: {  	[smem:$0x3F9A] =	sst s6  }
0xf: {  	[smem:$0x3F9B] =	sst s7  }
0x10: {  	[smem:$0x3F9C] =	sst s8  }
0x11: {  	[smem:$0x3F9D] =	sst s9;
	s0 =	simm.s32 @!p0 $0x0  }
0x12: {  	s1 =	sld [smem:$0x3F83];
	s0 =	simm.s32 @p0 $0x1  }
0x13: {  	[smem:$0x3F9E] =	sst s0;
	s0 =	simm.s32 @!p1 $0x0  }
0x14: {  	s2 =	sld [smem:$0x3F82];
	s0 =	simm.s32 @p1 $0x1  }
0x15: {  	[smem:$0x3F9F] =	sst s0;
	s0 =	simm.s32 @!p2 $0x0  }
0x16: {  	s3 =	sld [smem:$0x3FDB];
	s0 =	simm.s32 @p2 $0x1  }
0x17: {  	s4 =	simm.s32 $0x1BF5;
	[smem:$0x3FA1] =	sst s0  }
0x18: {  	s0 =	sld [smem:$0x3F84];
	_ =	swait.ge [sflag:s4], $0x0  }
0x19: {  	s7 =	sld [smem:$0x3F85]  }
0x1a: {  	s8 =	sadd.s32 $0xFFFFE003, lr  }
0x1b: {  	s9 =	sadd.s32 $0xFFFFFEF7, lr;
	s5 =	simm.s32 $0xFFFFFFFF;
	p2 =	slt.u32 s8, $0xFFFFF086  }
0x1c: {  	p1 =	slt.u32 s9, $0xF7A;
	s5 =	simm.s32 @!p2 $0x0  }
0x1d: {  	s5 =	simm.s32 @p1 $0x1;
	p0 =	seq.s32 s7, s2  }
0x1e: {  	s7 =	smul.u32 @!p0 $0xF7A, s2;
	p2 =	seq.s32 @!p0 s5, $0x0  }
0x1f: {  	s9 =	smul.u32 $0xF7A, s1;
	s8 =	simm.s32 @!p0 $0x1BF5;
	p2 =	por !p2, p0  }
0x20: {  	[sflag:s8] =	ssyncset.s32 @!p0 $0xFFFFF086;
	s6 =	sadd.s32 @!p0 s3, s7;
	s7 =	simm.s32 @!p0 $0x108  }
0x21: {  	s3 =	sadd.s32 s3, s9;
	s6 =	sadd.s32 @!p0 $0x88, s6;
	s7 =	simm.s32 @p2 $0x1082  }
0x22: {  	[simem:s7], [sflag:s8] =	dma.local @!p0 [hbm:s6], $0xF7A  }
0x23: {  	s9 =	sor.u32 $0xD0000000, s2;
	s6 =	simm.s32 $0x108;
	_ =	swait.ge @!p0 [sflag:s8], $0x0  }
0x24: {  	s3 =	sadd.s32 $0x88, s3;
	s6 =	simm.s32 @!p1 $0x1082;
	[sflag:s4] =	ssyncset.s32 $0xFFFFF086  }
0x25: {  	[simem:s6], [sflag:s4] =	dma.local [hbm:s3], $0xF7A  }
0x26: {  	[smem:$0x3F85] =	sst s1;
	(tag) =	ssettag s2;
	_ =	strace s9  }
0x27: {  	s1 =	sld [smem:$0x3F95]  }
0x28: {  	s2 =	sld [smem:$0x3F96]  }
0x29: {  	s4 =	sld [smem:$0x3F98]  }
0x2a: {  	p0 =	seq.s32 s5, $0x0;
	s5 =	sld [smem:$0x3F99]  }
0x2b: {  	s6 =	sld [smem:$0x3F9A]  }
0x2c: {  	s7 =	sld [smem:$0x3F9B]  }
0x2d: {  	s3 =	simm.s32 $0x108;
	s8 =	sld [smem:$0x3F9C]  }
0x2e: {  	s3 =	simm.s32 @!p0 $0x1082;
	s9 =	sld [smem:$0x3F9D]  }
0x2f: {  	lr =	sadd.s32 s0, s3;
	s0 =	sld [smem:$0x3F94]  }
0x30: {  	s3 =	sld [smem:$0x3F97]  }
0x31: {  	[smem:$0x3FA0] =	sst s10  }
0x32: {  	s10 =	sld [smem:$0x3F9E];
	_ =	sdelay $0x3  }
0x33: {  	p0 =	seq.s32 s10, $0x1;
	s10 =	sld [smem:$0x3FA0];
	_ =	sdelay $0x3  }
0x34: {  	[smem:$0x3FA0] =	sst s10  }
0x35: {  	s10 =	sld [smem:$0x3F9F];
	_ =	sdelay $0x3  }
0x36: {  	p1 =	seq.s32 s10, $0x1;
	s10 =	sld [smem:$0x3FA0];
	_ =	sdelay $0x3  }
0x37: {  	[smem:$0x3FA0] =	sst s10  }
0x38: {  	s10 =	sld [smem:$0x3FA1]  }
0x39: {  	_ = 	snop;
	(pc) =	sbr.ind lr, $3  }
0x3a: {  	_ = 	snop  }
0x3b: {  	_ = 	snop  }
0x3c: {  	p2 =	seq.s32 s10, $0x1;
	s10 =	sld [smem:$0x3FA0]  }
0x3d: {  	_ =	shalt  }
0x3e: {  	_ =	shalt  }
0x3f: {  	_ =	shalt  }
0x40: {  	_ =	shalt  }
0x41: {  	_ =	shalt  }
0x42: {  	_ =	shalt  }
0x43: {  	_ =	shalt  }
0x44: {  	_ =	shalt  }
0x45: {  	_ =	shalt  }
0x46: {  	_ =	shalt  }
0x47: {  	_ =	shalt  }
0x48: {  	_ =	shalt  }
0x49: {  	_ =	shalt  }
0x4a: {  	_ =	shalt  }
0x4b: {  	_ =	shalt  }
0x4c: {  	_ =	shalt  }
0x4d: {  	_ =	shalt  }
0x4e: {  	_ =	shalt  }
0x4f: {  	_ =	shalt  }
0x50: {  	_ =	shalt  }
0x51: {  	_ =	shalt  }
0x52: {  	_ =	shalt  }
0x53: {  	_ =	shalt  }
0x54: {  	_ =	shalt  }
0x55: {  	_ =	shalt  }
0x56: {  	_ =	shalt  }
0x57: {  	_ =	shalt  }
0x58: {  	_ =	shalt  }
0x59: {  	_ =	shalt  }
0x5a: {  	_ =	shalt  }
0x5b: {  	_ =	shalt  }
0x5c: {  	_ =	shalt  }
0x5d: {  	_ =	shalt  }
0x5e: {  	_ =	shalt  }
0x5f: {  	_ =	shalt  }
0x60: {  	_ =	shalt  }
0x61: {  	_ =	shalt  }
0x62: {  	_ =	shalt  }
0x63: {  	_ =	shalt  }
0x64: {  	_ =	shalt  }
0x65: {  	_ =	shalt  }
0x66: {  	_ =	shalt  }
0x67: {  	_ =	shalt  }
0x68: {  	_ =	shalt  }
0x69: {  	_ =	shalt  }
0x6a: {  	_ =	shalt  }
0x6b: {  	_ =	shalt  }
0x6c: {  	_ =	shalt  }
0x6d: {  	_ =	shalt  }
0x6e: {  	_ =	shalt  }
0x6f: {  	_ =	shalt  }
0x70: {  	_ =	shalt  }
0x71: {  	_ =	shalt  }
0x72: {  	_ =	shalt  }
0x73: {  	_ =	shalt  }
0x74: {  	_ =	shalt  }
0x75: {  	_ =	shalt  }
0x76: {  	_ =	shalt  }
0x77: {  	_ =	shalt  }
0x78: {  	_ =	shalt  }
0x79: {  	_ =	shalt  }
0x7a: {  	_ =	shalt  }
0x7b: {  	_ =	shalt  }
0x7c: {  	_ =	shalt  }
0x7d: {  	_ =	shalt  }
0x7e: {  	_ =	shalt  }
0x7f: {  	_ =	shalt  }
0x80: {  	_ =	shalt  }
0x81: {  	_ =	shalt  }
0x82: {  	_ =	shalt  }
0x83: {  	_ =	shalt  }
0x84: {  	_ =	shalt  }
0x85: {  	_ =	shalt  }
0x86: {  	_ =	shalt  }
0x87: {  	_ =	shalt  }
.Lfunc_end0:
.L_simem_size_0:
called_computation.2_lowered:
.L_overlay_start_0:
0x88: {  	s2 =	sld [smem:$0x3FD9]  }
0x89: {  	s3 =	sld [smem:$0x3FFE];
	_ =	sdelay $0x1  }
0x8a: {  	s1 =	srdreg.scid  }
0x8b: {  	s0 =	sand.u32 $0x1, s1  }
0x8c: {  	s16 =	sshll.u32 s0, $0xA;
	s2 =	sadd.s32 s3, s2  }
0x8d: {  	s2 =	sadd.s32 s2, s16  }
0x8e: {  	[smem:$0x3FAC] =	sst s2  }
0x8f: {  	_ = 	snop  }
0x90: {  	(tm) =	ssettm $0x1  }
0x91: {  	s17 =	sld [smem:$0x3FFB];
	_ =	sdelay $0x3  }
0x92: {  	_ =	strace s17  }
0x93: {  	s2 =	sld [smem:$0x3FFC];
	_ =	sdelay $0x3  }
0x94: {  	_ =	strace s2  }
0x95: {  	s2 =	sld [smem:$0x3FFD];
	_ =	sdelay $0x3  }
0x96: {  	_ =	strace s2  }
0x97: {  	_ =	strace $0x8FFFFFFF  }
0x98: {  	s18 =	sld [smem:$0x3FDB];
	_ =	sdelay $0x1  }
0x99: {  	s19 =	simm.s32 $_scs_section_size  }
0x9a: {  	s4 =	simm.s32 $_size__tile_overlayer_lowered;
	s5 =	simm.s32 $_tile_overlayer_lowered  }
0x9b: {  	s22 =	simm.s32 $0x1BFF;
	s21 =	sshll.u32 s5, $0x1;
	s2 =	sadd.s32 s19, s18  }
0x9c: {  	s6 =	simm.s32 $0x0;
	s20 =	sshll.u32 s4, $0x1;
	s4 =	sadd.s32 s21, s2  }
0x9d: {  	[timem:s6], [sflag:s22] =	dma.local [hbm:s4], s20  }
0x9e: {  	_ =	swait.ge [sflag:s22], s20  }
0x9f: {  	s3 =	ssub.s32 $0x0, s20;
	[sflag:s22] =	ssyncset.done $0x0  }
0xa0: {  	[sflag:s22] =	ssyncadd.s32 s3;
	_ =	sdelay $0x1  }
0xa1: {  	s23 =	simm.s32 $0x1B8B  }
0xa2: {  	_ =	swait.ge [sflag:s23], $0x1  }
0xa3: {  	[sflag:s23] =	ssyncset.done $0x0  }
0xa4: {  	s25 =	simm.s32 $0x1B8E;
	s24 =	sld [smem:$0x3FFE];
	[sflag:s23] =	ssyncadd.s32 $0xFFFFFFFF  }
0xa5: {  	s26 =	simm.s32 $execute0_lowered;
	[smem:$0x3FD2] =	sst s25  }
0xa6: {  	s4 =	sshll.u32 s26, $0x1;
	_ =	strace $0x8000004C;
	[dreg:$0x1] =	wrdreg $0xFFFFFFFF  }
0xa7: {  	s28 =	simm.s32 $_size_execute0_lowered;
	s2 =	sadd.s32 s2, s4;
	[dreg:$0x0] =	wrdreg $0x0  }
0xa8: {  	s4 =	sshll.u32 s28, $0x1;
	[dreg:$0x2] =	wrdreg s2  }
0xa9: {  	[dreg:$0x3] =	wrdreg s4  }
0xaa: {  	[dreg:$0x4] =	wrdreg $0xC0  }
0xab: {  	_ =	task [dreg:s6], $0x5FFFF  }
0xac: {  	[dreg:$0x1] =	wrdreg $0xFFFFFFFF  }
0xad: {  	[dreg:$0x0] =	wrdreg $0x60  }
0xae: {  	[dreg:$0x2] =	wrdreg s24  }
0xaf: {  	[dreg:$0x3] =	wrdreg $0x41000  }
0xb0: {  	[dreg:$0x4] =	wrdreg $0x9  }
0xb1: {  	_ =	task.clear_ibuf [dreg:s6], $0x5FFFF;
	_ =	strace $0x9000004C  }
0xb2: {  	s29 =	simm.s32 $0x9;
	_ =	strace $0x8000004E  }
0xb3: {  	_ =	swait.ge [sflag:s29], $0x1  }
0xb4: {  	[sflag:s29] =	ssyncadd.s32 $0xFFFFFFFF  }
0xb5: {  	_ =	strace $0x9000004E  }
0xb6: {  	_ =	sfence  }
0xb7: {  	s30 =	sld [smem:$0x0];
	_ =	sdelay $0x2  }
0xb8: {  	s31 =	sshll.u32 s1, $0xD;
	s1 =	sshrl.u32 s1, $0x2  }
0xb9: {  	s3 =	sand.u32 $0x4000, s31;
	s1 =	sadd.s32 s1, s30  }
0xba: {  	s0 =	sor.u32 s3, s0;
	s1 =	sshll.u32 s1, $0x11  }
0xbb: {  	s0 =	sor.u32 s1, s0  }
0xbc: {  	s0 =	sadd.s32 $0x8F2B, s0  }
0xbd: {  	[sflag:s0] =	ssyncadd.remote.s32 $0x1  }
0xbe: {  	_ =	sfence.sel $0xFFFF  }
0xbf: {  	[dreg:$0x0] =	wrdreg $0xFFFFFFFF;
	(pc) =	sbr.abs _section_cstart, $3  }
0xc0: {  	[dreg:$0x1] =	wrdreg $0xFFFFFFFF  }
0xc1: {  	_ =	task.clear_ibuf [dreg:s6], $0x2FFFF;
	_ =	strace $0x9FFFFFFF  }
0xc2: {  	(tm) =	ssettm $0x7FFFFFFF  }
0xc3: {  	_ =	shalt  }
tec
execute0_lowered:
.L_overlay_start_1:
0x0: {  	(tag) =	ssettag $0x1  }
0x1: {  	s6 =	rddreg [dreg:$0x0]  }
0x2: {  	s0 =	srdreg.scid;
	s2 =	rddreg [dreg:$0x1]  }
0x3: {  	s1 =	rddreg [dreg:$0x2];
	s7 =	sand.u32 $0x1, s0  }
0x4: {  	s3 =	simm.s32 $0x0;
	s0 =	stileid.u32;
	s4 =	smul.u32 $0x9D000, s7  }
0x5: {  	s13 =	simm.s32 $0x100;
	s14 =	simm.s32 $0x1;
	s5 =	smul.u32 $0x9D00, s0  }
0x6: {  	s15 =	simm.s32 $0x0;
	[smem:$0x7FF] =	sst s3;
	s8 =	smul.u32 $0x140000, s7  }
0x7: {  	s9 =	smul.u32 $0x14000, s0;
	_ =	strace $0x8000004D;
	s31 =	ssub.s32 $0x2, s7  }
0x8: {  	s10 =	smul.u32 $0x50000, s0;
	s11 =	sshll.u32 s0, $0x6;
	s7 =	sshrl.u32 s31, $0x1  }
0x9: {  	s5 =	sadd.s32 s5, s4;
	s4 =	sadd.s32 $0x42800, s6;
	s8 =	sadd.s32 s9, s8  }
0xa: {  	s10 =	sshrl.u32 s10, $0x2;
	s12 =	ssub.s32 s31, s7;
	s5 =	sshrl.u32 s5, $0x3  }
0xb: {  	s8 =	sshrl.u32 s8, $0x3;
	s10 =	sadd.s32 s10, s2;
	s30 =	sadd.s32 s5, s6  }
0xc: {  	s5 =	sadd.s32 $0x40000, s6;
	s8 =	sadd.s32 s8, s6;
	s6 =	sor.u32 $0x1C02, s11  }
0xd: {  	s10 =	sshrl.u32 s10, $0x3;
	s11 =	simm.s32 $0x2;
	s7 =	sadd.s32 $0x92800, s8  }
0xe: {  	s8 =	smax.u32 s12, $0x1;
	s9 =	sadd.s32 $0xE2800, s30;
	s12 =	simm.s32 $0x80  }
.LBB2_1:
0xf: {  	[spmem:s10], [sflag:s6] =	dma.local [hbm:s5], $0x2800  }
0x10: {  	_ =	swait.ge [sflag:s11], $0x2800  }
0x11: {  	[sflag:s11] =	ssyncset.done $0x0  }
0x12: {  	[sflag:s11] =	ssyncadd.s32 $0xFFFFD800  }
0x13: {  	s16 =	sadd.s32 $0x0, s9;
	[bflag:$0x0] =	sbarrier.arrive $0xFFFF  }
0x14: {  	[tilespmem:s3], [sflag:$0x2] =	stream.linear.gather [hbm4b:s16+s3], $0x100, $0x38;
	[tilespmem:$0x18100] =	vst v63  }
0x15: {  	_ =	swait.ge [sflag:s11], $0x100  }
0x16: {  	[sflag:s11] =	ssyncset.done $0x0  }
0x17: {  	[sflag:s11] =	ssyncadd.s32 $0xFFFFFF00  }
0x18: {  	[tilespmem:s13], [sflag:$0x1] =	stream.indirect.gather [hbm4b:s4+s12], $0x80, s3, s12, $0xb8;
	[tilespmem:$0x18100] =	vst v63  }
0x19: {  	_ =	swait.ge [sflag:s14], $0x4000  }
0x1a: {  	[sflag:s14] =	ssyncset.done $0x0  }
0x1b: {  	[sflag:s14] =	ssyncadd.s32 $0xFFFFC000  }
0x1c: {  	[spmem:s2] =	stream.indirect.scatter.add.f32 [tilespmem:s13], [sflag:$0x2], $0x80, s12, s12, $0xb8;
	[tilespmem:$0x18100] =	vst v63  }
0x1d: {  	_ =	swait.ge [sflag:s11], $0x4000  }
0x1e: {  	s17 =	simm.s32 $0x40;
	s16 =	simm.s32 $0x20;
	[sflag:s11] =	ssyncset.done $0x0  }
.LBB2_2:
0x1f: {  	s18 =	sadd.s32 s16, s9  }
0x20: {  	[sflag:s11] =	ssyncadd.s32 $0xFFFFC000;
	s16 =	smov.u32 s17;
	s19 =	sadd.s32 $0x20, s17  }
0x21: {  	[tilespmem:s3], [sflag:$0x2] =	stream.linear.gather [hbm4b:s18+s3], $0x100, $0x38;
	[tilespmem:$0x18100] =	vst v63  }
0x22: {  	p0 =	sne.s32 s17, $0x1380;
	_ =	swait.ge [sflag:s11], $0x100  }
0x23: {  	[sflag:s11] =	ssyncset.done $0x0  }
0x24: {  	[sflag:s11] =	ssyncadd.s32 $0xFFFFFF00  }
0x25: {  	[tilespmem:s13], [sflag:$0x1] =	stream.indirect.gather [hbm4b:s4+s12], $0x80, s3, s12, $0xb8;
	[tilespmem:$0x18100] =	vst v63  }
0x26: {  	_ =	swait.ge [sflag:s14], $0x4000  }
.Ltmp0:
0x27: {  	[sflag:s14] =	ssyncset.done $0x0;
	(pc) =	sbr.rel @p0 .LBB2_2-.Ltmp0, $4  }
0x28: {  	[sflag:s14] =	ssyncadd.s32 $0xFFFFC000  }
0x29: {  	[spmem:s2] =	stream.indirect.scatter.add.f32 [tilespmem:s13], [sflag:$0x2], $0x80, s12, s12, $0xb8;
	[tilespmem:$0x18100] =	vst v63  }
0x2a: {  	_ =	swait.ge [sflag:s11], $0x4000  }
0x2b: {  	s17 =	smov.u32 s19;
	[sflag:s11] =	ssyncset.done $0x0  }
0x2c: {  	s16 =	sadd.s32 s16, s9;
	[sflag:s11] =	ssyncadd.s32 $0xFFFFC000  }
0x2d: {  	[tilespmem:s3], [sflag:$0x2] =	stream.linear.gather [hbm4b:s16+s3], $0x100, $0x38;
	[tilespmem:$0x18100] =	vst v63  }
0x2e: {  	_ =	swait.ge [sflag:s11], $0x100  }
0x2f: {  	[sflag:s11] =	ssyncset.done $0x0  }
0x30: {  	[sflag:s11] =	ssyncadd.s32 $0xFFFFFF00  }
0x31: {  	[tilespmem:s13], [sflag:$0x1] =	stream.indirect.gather [hbm4b:s4+s12], $0x80, s3, s12, $0xb8;
	[tilespmem:$0x18100] =	vst v63  }
0x32: {  	_ =	swait.ge [sflag:s14], $0x4000  }
0x33: {  	[sflag:s14] =	ssyncset.done $0x0  }
0x34: {  	[sflag:s14] =	ssyncadd.s32 $0xFFFFC000  }
0x35: {  	[spmem:s2] =	stream.indirect.scatter.add.f32 [tilespmem:s13], [sflag:$0x2], $0x80, s12, s12, $0xb8;
	[tilespmem:$0x18100] =	vst v63  }
0x36: {  	_ =	swait.ge [sflag:s11], $0x4000  }
0x37: {  	s15 =	sadd.s32 $0x1, s15;
	[sflag:s11] =	ssyncset.done $0x0  }
0x38: {  	p0 =	sne.s32 s15, s8;
	[sflag:s11] =	ssyncadd.s32 $0xFFFFC000  }
.Ltmp1:
0x39: {  	[bflag:$0x0] =	sbarrier.arrive $0xFFFF;
	(pc) =	sbr.rel @p0 .LBB2_1-.Ltmp1, $4  }
0x3a: {  	[hbm:s7], [sflag:s6] =	dma.local [spmem:s10], $0x2800  }
0x3b: {  	_ =	swait.ge [sflag:s11], $0x2800  }
0x3c: {  	[sflag:s11] =	ssyncset.done $0x0  }
0x3d: {  	[sflag:s11] =	ssyncadd.s32 $0xFFFFD800  }
0x3e: {  	_ =	sfence.sel $0x180000  }
0x3f: {  	[bflag:$0x0] =	sbarrier.arrive $0xFFFF  }
0x40: {  	p0 =	sne.s32 s0, $0x0;
	_ =	strace $0x9000004D  }
0x41: {  	s0 =	sadd.s32 @!p0 $0x100000, s1;
	[bflag:$0x2] =	sbarrier.arrive $0xFFFF  }
0x42: {  	[sflag:s0] =	ssyncadd.tile.s32 @!p0 $0x1;
	_ =	shalt  }
.Lfunc_end2:
_tile_overlayer_lowered:
.L_overlay_start_2:
0x43: {  	(tag) =	ssettag $0x2  }
0x44: {  	s0 =	rddreg [dreg:$0x0];
	s2 =	stileid.u32  }
0x45: {  	s1 =	rddreg [dreg:$0x1];
	p0 =	sne.s32 s2, $0x0  }
0x46: {  	s3 =	rddreg [dreg:$0x2];
	[bflag:$0x3] =	sbarrier.arrive $0xFFFF;
	s2 =	simm.s32 @!p0 $0x1C02  }
0x47: {  	[timem:s3], [sflag:s2] =	dma.local @!p0 [hbm:s0], s1  }
0x48: {  	s0 =	simm.s32 @!p0 $0x2  }
0x49: {  	_ =	swait.ge @!p0 [sflag:s0], s1  }
0x4a: {  	s1 =	ssub.s32 @!p0 $0x0, s1;
	[sflag:s0] =	ssyncset.done @!p0 $0x0  }
0x4b: {  	[sflag:s0] =	ssyncadd.s32 @!p0 s1  }
0x4c: {  	[bflag:$0x3] =	sbarrier.arrive $0xFFFF  }
0x4d: {  	_ =	shalt  }

// kernel: kernel.9.cloned.1.call-start
scs
__scs_entry_jumppad:
0x0: {  	(pc) =	sbr.rel $0x88, $3  }
0x1: {  	(tag) =	ssettag $0x0;
	lr =	simm.s32 $0x1  }
0x2: {  	[smem:$0x3F85] =	sst lr;
	_ =	strace $0xD0000000  }
0x3: {  	_ = 	snop  }
0x4: {  	_ = 	snop  }
0x5: {  	_ = 	snop  }
0x6: {  	_ = 	snop  }
0x7: {  	_ = 	snop  }
__scs_overlays_trampoline_lowered:
0x8: {  	[smem:$0x3F94] =	sst s0  }
0x9: {  	[smem:$0x3F95] =	sst s1  }
0xa: {  	[smem:$0x3F96] =	sst s2  }
0xb: {  	[smem:$0x3F97] =	sst s3  }
0xc: {  	[smem:$0x3F98] =	sst s4  }
0xd: {  	[smem:$0x3F99] =	sst s5  }
0xe: {  	[smem:$0x3F9A] =	sst s6  }
0xf: {  	[smem:$0x3F9B] =	sst s7  }
0x10: {  	[smem:$0x3F9C] =	sst s8  }
0x11: {  	[smem:$0x3F9D] =	sst s9;
	s0 =	simm.s32 @!p0 $0x0  }
0x12: {  	s1 =	sld [smem:$0x3F83];
	s0 =	simm.s32 @p0 $0x1  }
0x13: {  	[smem:$0x3F9E] =	sst s0;
	s0 =	simm.s32 @!p1 $0x0  }
0x14: {  	s2 =	sld [smem:$0x3F82];
	s0 =	simm.s32 @p1 $0x1  }
0x15: {  	[smem:$0x3F9F] =	sst s0;
	s0 =	simm.s32 @!p2 $0x0  }
0x16: {  	s3 =	sld [smem:$0x3FDB];
	s0 =	simm.s32 @p2 $0x1  }
0x17: {  	s4 =	simm.s32 $0x1BF5;
	[smem:$0x3FA1] =	sst s0  }
0x18: {  	s0 =	sld [smem:$0x3F84];
	_ =	swait.ge [sflag:s4], $0x0  }
0x19: {  	s7 =	sld [smem:$0x3F85]  }
0x1a: {  	s8 =	sadd.s32 $0xFFFFE003, lr  }
0x1b: {  	s9 =	sadd.s32 $0xFFFFFEF7, lr;
	s5 =	simm.s32 $0xFFFFFFFF;
	p2 =	slt.u32 s8, $0xFFFFF086  }
0x1c: {  	p1 =	slt.u32 s9, $0xF7A;
	s5 =	simm.s32 @!p2 $0x0  }
0x1d: {  	s5 =	simm.s32 @p1 $0x1;
	p0 =	seq.s32 s7, s2  }
0x1e: {  	s7 =	smul.u32 @!p0 $0xF7A, s2;
	p2 =	seq.s32 @!p0 s5, $0x0  }
0x1f: {  	s9 =	smul.u32 $0xF7A, s1;
	s8 =	simm.s32 @!p0 $0x1BF5;
	p2 =	por !p2, p0  }
0x20: {  	[sflag:s8] =	ssyncset.s32 @!p0 $0xFFFFF086;
	s6 =	sadd.s32 @!p0 s3, s7;
	s7 =	simm.s32 @!p0 $0x108  }
0x21: {  	s3 =	sadd.s32 s3, s9;
	s6 =	sadd.s32 @!p0 $0x88, s6;
	s7 =	simm.s32 @p2 $0x1082  }
0x22: {  	[simem:s7], [sflag:s8] =	dma.local @!p0 [hbm:s6], $0xF7A  }
0x23: {  	s9 =	sor.u32 $0xD0000000, s2;
	s6 =	simm.s32 $0x108;
	_ =	swait.ge @!p0 [sflag:s8], $0x0  }
0x24: {  	s3 =	sadd.s32 $0x88, s3;
	s6 =	simm.s32 @!p1 $0x1082;
	[sflag:s4] =	ssyncset.s32 $0xFFFFF086  }
0x25: {  	[simem:s6], [sflag:s4] =	dma.local [hbm:s3], $0xF7A  }
0x26: {  	[smem:$0x3F85] =	sst s1;
	(tag) =	ssettag s2;
	_ =	strace s9  }
0x27: {  	s1 =	sld [smem:$0x3F95]  }
0x28: {  	s2 =	sld [smem:$0x3F96]  }
0x29: {  	s4 =	sld [smem:$0x3F98]  }
0x2a: {  	p0 =	seq.s32 s5, $0x0;
	s5 =	sld [smem:$0x3F99]  }
0x2b: {  	s6 =	sld [smem:$0x3F9A]  }
0x2c: {  	s7 =	sld [smem:$0x3F9B]  }
0x2d: {  	s3 =	simm.s32 $0x108;
	s8 =	sld [smem:$0x3F9C]  }
0x2e: {  	s3 =	simm.s32 @!p0 $0x1082;
	s9 =	sld [smem:$0x3F9D]  }
0x2f: {  	lr =	sadd.s32 s0, s3;
	s0 =	sld [smem:$0x3F94]  }
0x30: {  	s3 =	sld [smem:$0x3F97]  }
0x31: {  	[smem:$0x3FA0] =	sst s10  }
0x32: {  	s10 =	sld [smem:$0x3F9E];
	_ =	sdelay $0x3  }
0x33: {  	p0 =	seq.s32 s10, $0x1;
	s10 =	sld [smem:$0x3FA0];
	_ =	sdelay $0x3  }
0x34: {  	[smem:$0x3FA0] =	sst s10  }
0x35: {  	s10 =	sld [smem:$0x3F9F];
	_ =	sdelay $0x3  }
0x36: {  	p1 =	seq.s32 s10, $0x1;
	s10 =	sld [smem:$0x3FA0];
	_ =	sdelay $0x3  }
0x37: {  	[smem:$0x3FA0] =	sst s10  }
0x38: {  	s10 =	sld [smem:$0x3FA1]  }
0x39: {  	_ = 	snop;
	(pc) =	sbr.ind lr, $3  }
0x3a: {  	_ = 	snop  }
0x3b: {  	_ = 	snop  }
0x3c: {  	p2 =	seq.s32 s10, $0x1;
	s10 =	sld [smem:$0x3FA0]  }
0x3d: {  	_ =	shalt  }
0x3e: {  	_ =	shalt  }
0x3f: {  	_ =	shalt  }
0x40: {  	_ =	shalt  }
0x41: {  	_ =	shalt  }
0x42: {  	_ =	shalt  }
0x43: {  	_ =	shalt  }
0x44: {  	_ =	shalt  }
0x45: {  	_ =	shalt  }
0x46: {  	_ =	shalt  }
0x47: {  	_ =	shalt  }
0x48: {  	_ =	shalt  }
0x49: {  	_ =	shalt  }
0x4a: {  	_ =	shalt  }
0x4b: {  	_ =	shalt  }
0x4c: {  	_ =	shalt  }
0x4d: {  	_ =	shalt  }
0x4e: {  	_ =	shalt  }
0x4f: {  	_ =	shalt  }
0x50: {  	_ =	shalt  }
0x51: {  	_ =	shalt  }
0x52: {  	_ =	shalt  }
0x53: {  	_ =	shalt  }
0x54: {  	_ =	shalt  }
0x55: {  	_ =	shalt  }
0x56: {  	_ =	shalt  }
0x57: {  	_ =	shalt  }
0x58: {  	_ =	shalt  }
0x59: {  	_ =	shalt  }
0x5a: {  	_ =	shalt  }
0x5b: {  	_ =	shalt  }
0x5c: {  	_ =	shalt  }
0x5d: {  	_ =	shalt  }
0x5e: {  	_ =	shalt  }
0x5f: {  	_ =	shalt  }
0x60: {  	_ =	shalt  }
0x61: {  	_ =	shalt  }
0x62: {  	_ =	shalt  }
0x63: {  	_ =	shalt  }
0x64: {  	_ =	shalt  }
0x65: {  	_ =	shalt  }
0x66: {  	_ =	shalt  }
0x67: {  	_ =	shalt  }
0x68: {  	_ =	shalt  }
0x69: {  	_ =	shalt  }
0x6a: {  	_ =	shalt  }
0x6b: {  	_ =	shalt  }
0x6c: {  	_ =	shalt  }
0x6d: {  	_ =	shalt  }
0x6e: {  	_ =	shalt  }
0x6f: {  	_ =	shalt  }
0x70: {  	_ =	shalt  }
0x71: {  	_ =	shalt  }
0x72: {  	_ =	shalt  }
0x73: {  	_ =	shalt  }
0x74: {  	_ =	shalt  }
0x75: {  	_ =	shalt  }
0x76: {  	_ =	shalt  }
0x77: {  	_ =	shalt  }
0x78: {  	_ =	shalt  }
0x79: {  	_ =	shalt  }
0x7a: {  	_ =	shalt  }
0x7b: {  	_ =	shalt  }
0x7c: {  	_ =	shalt  }
0x7d: {  	_ =	shalt  }
0x7e: {  	_ =	shalt  }
0x7f: {  	_ =	shalt  }
0x80: {  	_ =	shalt  }
0x81: {  	_ =	shalt  }
0x82: {  	_ =	shalt  }
0x83: {  	_ =	shalt  }
0x84: {  	_ =	shalt  }
0x85: {  	_ =	shalt  }
0x86: {  	_ =	shalt  }
0x87: {  	_ =	shalt  }
.Lfunc_end0:
.L_simem_size_0:
called_computation_lowered:
.L_overlay_start_0:
0x88: {  	s2 =	sld [smem:$0x3FD9]  }
0x89: {  	s3 =	sld [smem:$0x3FFE];
	_ =	sdelay $0x1  }
0x8a: {  	s1 =	srdreg.scid  }
0x8b: {  	s0 =	sand.u32 $0x1, s1  }
0x8c: {  	s16 =	sshll.u32 s0, $0xA;
	s2 =	sadd.s32 s3, s2  }
0x8d: {  	s2 =	sadd.s32 s2, s16  }
0x8e: {  	[smem:$0x3FAC] =	sst s2  }
0x8f: {  	_ = 	snop  }
0x90: {  	(tm) =	ssettm $0x1  }
0x91: {  	s17 =	sld [smem:$0x3FFB];
	_ =	sdelay $0x3  }
0x92: {  	_ =	strace s17  }
0x93: {  	s2 =	sld [smem:$0x3FFC];
	_ =	sdelay $0x3  }
0x94: {  	_ =	strace s2  }
0x95: {  	s2 =	sld [smem:$0x3FFD];
	_ =	sdelay $0x3  }
0x96: {  	_ =	strace s2  }
0x97: {  	_ =	strace $0x8FFFFFFF  }
0x98: {  	s18 =	sld [smem:$0x3FDB];
	_ =	sdelay $0x1  }
0x99: {  	s19 =	simm.s32 $_scs_section_size  }
0x9a: {  	s4 =	simm.s32 $_size__tile_overlayer_lowered;
	s5 =	simm.s32 $_tile_overlayer_lowered  }
0x9b: {  	s22 =	simm.s32 $0x1BFF;
	s21 =	sshll.u32 s5, $0x1;
	s2 =	sadd.s32 s19, s18  }
0x9c: {  	s6 =	simm.s32 $0x0;
	s20 =	sshll.u32 s4, $0x1;
	s4 =	sadd.s32 s21, s2  }
0x9d: {  	[timem:s6], [sflag:s22] =	dma.local [hbm:s4], s20  }
0x9e: {  	_ =	swait.ge [sflag:s22], s20  }
0x9f: {  	s3 =	ssub.s32 $0x0, s20;
	[sflag:s22] =	ssyncset.done $0x0  }
0xa0: {  	[sflag:s22] =	ssyncadd.s32 s3;
	_ =	sdelay $0x1  }
0xa1: {  	s23 =	simm.s32 $0x1B8B  }
0xa2: {  	_ =	swait.ge [sflag:s23], $0x1  }
0xa3: {  	[sflag:s23] =	ssyncset.done $0x0  }
0xa4: {  	s25 =	simm.s32 $0x1B8E;
	s24 =	sld [smem:$0x3FFE];
	[sflag:s23] =	ssyncadd.s32 $0xFFFFFFFF  }
0xa5: {  	s26 =	simm.s32 $execute0_lowered;
	[smem:$0x3FD2] =	sst s25  }
0xa6: {  	s4 =	sshll.u32 s26, $0x1;
	_ =	strace $0x80000046;
	[dreg:$0x1] =	wrdreg $0xFFFFFFFF  }
0xa7: {  	s28 =	simm.s32 $_size_execute0_lowered;
	s2 =	sadd.s32 s2, s4;
	[dreg:$0x0] =	wrdreg $0x0  }
0xa8: {  	s4 =	sshll.u32 s28, $0x1;
	[dreg:$0x2] =	wrdreg s2  }
0xa9: {  	[dreg:$0x3] =	wrdreg s4  }
0xaa: {  	[dreg:$0x4] =	wrdreg $0xC0  }
0xab: {  	_ =	task [dreg:s6], $0x5FFFF  }
0xac: {  	[dreg:$0x1] =	wrdreg $0xFFFFFFFF  }
0xad: {  	[dreg:$0x0] =	wrdreg $0x60  }
0xae: {  	[dreg:$0x2] =	wrdreg s24  }
0xaf: {  	[dreg:$0x3] =	wrdreg $0x41000  }
0xb0: {  	[dreg:$0x4] =	wrdreg $0x9  }
0xb1: {  	_ =	task.clear_ibuf [dreg:s6], $0x5FFFF;
	_ =	strace $0x90000046  }
0xb2: {  	s29 =	simm.s32 $0x9;
	_ =	strace $0x80000048  }
0xb3: {  	_ =	swait.ge [sflag:s29], $0x1  }
0xb4: {  	[sflag:s29] =	ssyncadd.s32 $0xFFFFFFFF  }
0xb5: {  	_ =	strace $0x90000048  }
0xb6: {  	_ =	sfence  }
0xb7: {  	s30 =	sld [smem:$0x0];
	_ =	sdelay $0x2  }
0xb8: {  	s31 =	sshll.u32 s1, $0xD;
	s1 =	sshrl.u32 s1, $0x2  }
0xb9: {  	s3 =	sand.u32 $0x4000, s31;
	s1 =	sadd.s32 s1, s30  }
0xba: {  	s0 =	sor.u32 s3, s0;
	s1 =	sshll.u32 s1, $0x11  }
0xbb: {  	s0 =	sor.u32 s1, s0  }
0xbc: {  	s0 =	sadd.s32 $0x8F2B, s0  }
0xbd: {  	[sflag:s0] =	ssyncadd.remote.s32 $0x1  }
0xbe: {  	_ =	sfence.sel $0xFFFF  }
0xbf: {  	[dreg:$0x0] =	wrdreg $0xFFFFFFFF;
	(pc) =	sbr.abs _section_cstart, $3  }
0xc0: {  	[dreg:$0x1] =	wrdreg $0xFFFFFFFF  }
0xc1: {  	_ =	task.clear_ibuf [dreg:s6], $0x2FFFF;
	_ =	strace $0x9FFFFFFF  }
0xc2: {  	(tm) =	ssettm $0x7FFFFFFF  }
0xc3: {  	_ =	shalt  }
tec
execute0_lowered:
.L_overlay_start_1:
0x0: {  	(tag) =	ssettag $0x1  }
0x1: {  	s6 =	rddreg [dreg:$0x0]  }
0x2: {  	s0 =	srdreg.scid;
	s2 =	rddreg [dreg:$0x1]  }
0x3: {  	s1 =	rddreg [dreg:$0x2];
	s7 =	sand.u32 $0x1, s0  }
0x4: {  	s3 =	simm.s32 $0x0;
	s0 =	stileid.u32;
	s4 =	smul.u32 $0x4F000, s7  }
0x5: {  	s13 =	simm.s32 $0x100;
	s14 =	simm.s32 $0x1;
	s5 =	smul.u32 $0x4F00, s0  }
0x6: {  	s15 =	simm.s32 $0x0;
	[smem:$0x7FF] =	sst s3;
	s8 =	smul.u32 $0x140000, s7  }
0x7: {  	s9 =	smul.u32 $0x14000, s0;
	_ =	strace $0x80000047;
	s31 =	ssub.s32 $0x2, s7  }
0x8: {  	s10 =	smul.u32 $0x50000, s0;
	s11 =	sshll.u32 s0, $0x6;
	s7 =	sshrl.u32 s31, $0x1  }
0x9: {  	s5 =	sadd.s32 s5, s4;
	s4 =	sadd.s32 $0x4400, s6;
	s8 =	sadd.s32 s9, s8  }
0xa: {  	s10 =	sshrl.u32 s10, $0x2;
	s12 =	ssub.s32 s31, s7;
	s5 =	sshrl.u32 s5, $0x3  }
0xb: {  	s8 =	sshrl.u32 s8, $0x3;
	s10 =	sadd.s32 s10, s2;
	s30 =	sadd.s32 s5, s6  }
0xc: {  	s5 =	sadd.s32 $0x40000, s6;
	s8 =	sadd.s32 s8, s6;
	s6 =	sor.u32 $0x1C02, s11  }
0xd: {  	s10 =	sshrl.u32 s10, $0x3;
	s11 =	simm.s32 $0x2;
	s7 =	sadd.s32 $0x42800, s8  }
0xe: {  	s8 =	smax.u32 s12, $0x1;
	s9 =	sadd.s32 $0x2C400, s30;
	s12 =	simm.s32 $0x80  }
.LBB2_1:
0xf: {  	[spmem:s10], [sflag:s6] =	dma.local [hbm:s5], $0x2800  }
0x10: {  	_ =	swait.ge [sflag:s11], $0x2800  }
0x11: {  	[sflag:s11] =	ssyncset.done $0x0  }
0x12: {  	[sflag:s11] =	ssyncadd.s32 $0xFFFFD800  }
0x13: {  	s16 =	sadd.s32 $0x0, s9;
	[bflag:$0x0] =	sbarrier.arrive $0xFFFF  }
0x14: {  	[tilespmem:s3], [sflag:$0x2] =	stream.linear.gather [hbm4b:s16+s3], $0x100, $0x38;
	[tilespmem:$0x18100] =	vst v63  }
0x15: {  	_ =	swait.ge [sflag:s11], $0x100  }
0x16: {  	[sflag:s11] =	ssyncset.done $0x0  }
0x17: {  	[sflag:s11] =	ssyncadd.s32 $0xFFFFFF00  }
0x18: {  	[tilespmem:s13], [sflag:$0x1] =	stream.indirect.gather [hbm4b:s4+s12], $0x80, s3, s12, $0xb8;
	[tilespmem:$0x18100] =	vst v63  }
0x19: {  	_ =	swait.ge [sflag:s14], $0x4000  }
0x1a: {  	[sflag:s14] =	ssyncset.done $0x0  }
0x1b: {  	[sflag:s14] =	ssyncadd.s32 $0xFFFFC000  }
0x1c: {  	[spmem:s2] =	stream.indirect.scatter.add.f32 [tilespmem:s13], [sflag:$0x2], $0x80, s12, s12, $0xb8;
	[tilespmem:$0x18100] =	vst v63  }
0x1d: {  	_ =	swait.ge [sflag:s11], $0x4000  }
0x1e: {  	s17 =	simm.s32 $0x40;
	s16 =	simm.s32 $0x20;
	[sflag:s11] =	ssyncset.done $0x0  }
.LBB2_2:
0x1f: {  	s18 =	sadd.s32 s16, s9  }
0x20: {  	[sflag:s11] =	ssyncadd.s32 $0xFFFFC000;
	s16 =	smov.u32 s17;
	s19 =	sadd.s32 $0x20, s17  }
0x21: {  	[tilespmem:s3], [sflag:$0x2] =	stream.linear.gather [hbm4b:s18+s3], $0x100, $0x38;
	[tilespmem:$0x18100] =	vst v63  }
0x22: {  	p0 =	sne.s32 s17, $0x9C0;
	_ =	swait.ge [sflag:s11], $0x100  }
0x23: {  	[sflag:s11] =	ssyncset.done $0x0  }
0x24: {  	[sflag:s11] =	ssyncadd.s32 $0xFFFFFF00  }
0x25: {  	[tilespmem:s13], [sflag:$0x1] =	stream.indirect.gather [hbm4b:s4+s12], $0x80, s3, s12, $0xb8;
	[tilespmem:$0x18100] =	vst v63  }
0x26: {  	_ =	swait.ge [sflag:s14], $0x4000  }
.Ltmp0:
0x27: {  	[sflag:s14] =	ssyncset.done $0x0;
	(pc) =	sbr.rel @p0 .LBB2_2-.Ltmp0, $4  }
0x28: {  	[sflag:s14] =	ssyncadd.s32 $0xFFFFC000  }
0x29: {  	[spmem:s2] =	stream.indirect.scatter.add.f32 [tilespmem:s13], [sflag:$0x2], $0x80, s12, s12, $0xb8;
	[tilespmem:$0x18100] =	vst v63  }
0x2a: {  	_ =	swait.ge [sflag:s11], $0x4000  }
0x2b: {  	s17 =	smov.u32 s19;
	[sflag:s11] =	ssyncset.done $0x0  }
0x2c: {  	s16 =	sadd.s32 s16, s9;
	[sflag:s11] =	ssyncadd.s32 $0xFFFFC000  }
0x2d: {  	[tilespmem:s3], [sflag:$0x2] =	stream.linear.gather [hbm4b:s16+s3], $0x100, $0x38;
	[tilespmem:$0x18100] =	vst v63  }
0x2e: {  	_ =	swait.ge [sflag:s11], $0x100  }
0x2f: {  	[sflag:s11] =	ssyncset.done $0x0  }
0x30: {  	[sflag:s11] =	ssyncadd.s32 $0xFFFFFF00  }
0x31: {  	[tilespmem:s13], [sflag:$0x1] =	stream.indirect.gather [hbm4b:s4+s12], $0x80, s3, s12, $0xb8;
	[tilespmem:$0x18100] =	vst v63  }
0x32: {  	_ =	swait.ge [sflag:s14], $0x4000  }
0x33: {  	[sflag:s14] =	ssyncset.done $0x0  }
0x34: {  	[sflag:s14] =	ssyncadd.s32 $0xFFFFC000  }
0x35: {  	[spmem:s2] =	stream.indirect.scatter.add.f32 [tilespmem:s13], [sflag:$0x2], $0x80, s12, s12, $0xb8;
	[tilespmem:$0x18100] =	vst v63  }
0x36: {  	_ =	swait.ge [sflag:s11], $0x4000  }
0x37: {  	s15 =	sadd.s32 $0x1, s15;
	[sflag:s11] =	ssyncset.done $0x0  }
0x38: {  	p0 =	sne.s32 s15, s8;
	[sflag:s11] =	ssyncadd.s32 $0xFFFFC000  }
.Ltmp1:
0x39: {  	[bflag:$0x0] =	sbarrier.arrive $0xFFFF;
	(pc) =	sbr.rel @p0 .LBB2_1-.Ltmp1, $4  }
0x3a: {  	[hbm:s7], [sflag:s6] =	dma.local [spmem:s10], $0x2800  }
0x3b: {  	_ =	swait.ge [sflag:s11], $0x2800  }
0x3c: {  	[sflag:s11] =	ssyncset.done $0x0  }
0x3d: {  	[sflag:s11] =	ssyncadd.s32 $0xFFFFD800  }
0x3e: {  	_ =	sfence.sel $0x180000  }
0x3f: {  	[bflag:$0x0] =	sbarrier.arrive $0xFFFF  }
0x40: {  	p0 =	sne.s32 s0, $0x0;
	_ =	strace $0x90000047  }
0x41: {  	s0 =	sadd.s32 @!p0 $0x100000, s1;
	[bflag:$0x2] =	sbarrier.arrive $0xFFFF  }
0x42: {  	[sflag:s0] =	ssyncadd.tile.s32 @!p0 $0x1;
	_ =	shalt  }
.Lfunc_end2:
_tile_overlayer_lowered:
.L_overlay_start_2:
0x43: {  	(tag) =	ssettag $0x2  }
0x44: {  	s0 =	rddreg [dreg:$0x0];
	s2 =	stileid.u32  }
0x45: {  	s1 =	rddreg [dreg:$0x1];
	p0 =	sne.s32 s2, $0x0  }
0x46: {  	s3 =	rddreg [dreg:$0x2];
	[bflag:$0x3] =	sbarrier.arrive $0xFFFF;
	s2 =	simm.s32 @!p0 $0x1C02  }
0x47: {  	[timem:s3], [sflag:s2] =	dma.local @!p0 [hbm:s0], s1  }
0x48: {  	s0 =	simm.s32 @!p0 $0x2  }
0x49: {  	_ =	swait.ge @!p0 [sflag:s0], s1  }
0x4a: {  	s1 =	ssub.s32 @!p0 $0x0, s1;
	[sflag:s0] =	ssyncset.done @!p0 $0x0  }
0x4b: {  	[sflag:s0] =	ssyncadd.s32 @!p0 s1  }
0x4c: {  	[bflag:$0x3] =	sbarrier.arrive $0xFFFF  }
0x4d: {  	_ =	shalt  }

</sc_bundles>
